<compile_context>
chip_gen: v7x
topology: tpu7x:2x2x1
jax: 0.10.2.dev20260603
libtpu: 0.0.44.dev20260713+nightly
codegen_flags: <defaults>
</compile_context>

<pallas_src>
import functools

import jax
import jax.numpy as jnp
from jax import lax
from jax.experimental import pallas as pl
from jax.experimental.pallas import tpu as pltpu
from jax.experimental.pallas import tpu_sc as plsc

_EPS = 1e-6

_pcall = pl.pallas_call


def _leaky(x, slope):
    return jnp.where(x >= 0, x, slope * x)


def _sc_gather(table, idx):
    M = idx.shape[0]
    D = table.shape[1]
    info = plsc.get_sparse_core_info()
    nw = info.num_cores * info.num_subcores
    cs = 5000
    n_chunks = M // cs
    mesh = plsc.VectorSubcoreMesh(core_axis_name="c", subcore_axis_name="s")

    @functools.partial(
        pl.kernel,
        mesh=mesh,
        compiler_params=pltpu.CompilerParams(use_tc_tiling_on_sc=False),
        out_type=jax.ShapeDtypeStruct((M, D), jnp.float32),
        scratch_types=[
            pltpu.VMEM((cs,), jnp.int32),
            pltpu.VMEM((cs, D), jnp.float32),
            pltpu.SemaphoreType.DMA,
        ],
    )
    def k(table_hbm, idx_hbm, out_hbm, idx_v, rows_v, sem):
        wid = lax.axis_index("s") * info.num_cores + lax.axis_index("c")

        def body(j, carry):
            cid = j * nw + wid

            @pl.when(cid < n_chunks)
            def _():
                off = cid * cs
                pltpu.sync_copy(idx_hbm.at[pl.ds(off, cs)], idx_v)
                pltpu.async_copy(table_hbm.at[idx_v], rows_v, sem).wait()
                pltpu.sync_copy(rows_v, out_hbm.at[pl.ds(off, cs)])

            return carry

        lax.fori_loop(0, pl.cdiv(n_chunks, nw), body, 0)

    return k(table, idx)


def _stat_cols(y, c):
    s = jnp.sum(y, 1, keepdims=True)
    ss = jnp.sum(y * y, 1, keepdims=True)
    return jnp.concatenate([s, ss, jnp.zeros((c, 6), jnp.float32)], 1)


def _affine_from(st, g, be, count):
    m = st[:, 0:1] / count
    v = st[:, 1:2] / count - m * m
    a = g / jnp.sqrt(v + _EPS)
    return a, be - a * m


def _bn_affine(st, g, be, count):
    return _affine_from(st, g[:, None], be[:, None], count)


def _acc(ref, upd, first):
    @pl.when(first)
    def _():
        ref[...] = upd

    @pl.when(jnp.logical_not(first))
    def _():
        ref[...] += upd



def _ka_body(feat_ref, xyz_ref, w1_ref, ws_ref, g1_ref, be1_ref,
             t1_ref, sts_ref, *, N):
    x = feat_ref[...]
    y1 = jnp.dot(w1_ref[...], x, preferred_element_type=jnp.float32)
    a, c = _affine_from(_stat_cols(y1, 8), g1_ref[...], be1_ref[...], N)
    fpc = _leaky(a * y1 + c, 0.2)
    t1_ref[...] = jnp.concatenate([fpc, xyz_ref[...]], axis=0)
    ys = jnp.dot(ws_ref[...], x, preferred_element_type=jnp.float32)
    sts_ref[...] = _stat_cols(ys, 32)


def _fxyz_k(gk, rep, n):
    nx = gk[8:11, :]
    rel = rep - nx
    dist = jnp.sqrt(jnp.sum(rel * rel, axis=0, keepdims=True))
    return jnp.concatenate(
        [dist, rel, rep, nx, jnp.zeros((6, n), jnp.float32)], axis=0)


def _k3_body(g1_ref, xyz_ref, wb1_ref, st_ref):
    n = g1_ref.shape[2]
    first = pl.program_id(0) == 0
    fx = _fxyz_k(g1_ref[0], xyz_ref[0:3, :], n)
    yb1 = jnp.dot(wb1_ref[...], fx, preferred_element_type=jnp.float32)
    _acc(st_ref, _stat_cols(yb1, 8), first)


def _k4_body(g1_ref, xyz_ref, wb1_ref, ab_ref, cb_ref, fct_ref, apw_ref,
             wd_ref, gc_ref, bec_ref, t2_ref, yd_ref, std_ref,
             m_s, z_s, s_s, *, N):
    k = pl.program_id(0)
    nk = pl.num_programs(0)
    n = g1_ref.shape[2]
    gk = g1_ref[0]
    fx = _fxyz_k(gk, xyz_ref[0:3, :], n)
    yb1 = jnp.dot(wb1_ref[...], fx, preferred_element_type=jnp.float32)
    fxyz1 = _leaky(ab_ref[...] * yb1 + cb_ref[...], 0.2)
    fck = jnp.concatenate([gk[0:8, :], fxyz1], axis=0)
    att = jnp.dot(fct_ref[...], fck, preferred_element_type=jnp.float32)
    ydk = jnp.dot(wd_ref[...], fxyz1, preferred_element_type=jnp.float32)
    yd_ref[0] = ydk
    _acc(std_ref, _stat_cols(ydk, 8), k == 0)

    @pl.when(k == 0)
    def _():
        m_s[...] = att
        z_s[...] = jnp.ones_like(att)
        s_s[...] = fck

    @pl.when(k > 0)
    def _():
        m_new = jnp.maximum(m_s[...], att)
        r = jnp.exp(m_s[...] - m_new)
        e = jnp.exp(att - m_new)
        z_s[...] = z_s[...] * r + e
        s_s[...] = s_s[...] * r + fck * e
        m_s[...] = m_new

    @pl.when(k == nk - 1)
    def _():
        s1 = s_s[...] / z_s[...]
        yc = jnp.dot(apw_ref[...], s1, preferred_element_type=jnp.float32)
        ac, cc = _affine_from(_stat_cols(yc, 8), gc_ref[...], bec_ref[...], N)
        t2_ref[...] = _leaky(ac * yc + cc, 0.2)


def _k6_body(g2_ref, yd_ref, ad_ref, cd_ref, fct_ref, apw_ref,
             gap_ref, bep_ref, w2_ref, g2p_ref, be2p_ref, feat_ref, ws_ref,
             as_ref, cs_ref, out_ref, m_s, z_s, s_s, *, N):
    k = pl.program_id(0)
    nk = pl.num_programs(0)
    fxyz2 = _leaky(ad_ref[...] * yd_ref[0] + cd_ref[...], 0.2)
    fck = jnp.concatenate([g2_ref[0], fxyz2], axis=0)
    att = jnp.dot(fct_ref[...], fck, preferred_element_type=jnp.float32)

    @pl.when(k == 0)
    def _():
        m_s[...] = att
        z_s[...] = jnp.ones_like(att)
        s_s[...] = fck

    @pl.when(k > 0)
    def _():
        m_new = jnp.maximum(m_s[...], att)
        r = jnp.exp(m_s[...] - m_new)
        e = jnp.exp(att - m_new)
        z_s[...] = z_s[...] * r + e
        s_s[...] = s_s[...] * r + fck * e
        m_s[...] = m_new

    @pl.when(k == nk - 1)
    def _():
        s2 = s_s[...] / z_s[...]
        ye = jnp.dot(apw_ref[...], s2, preferred_element_type=jnp.float32)
        ae, ce = _affine_from(_stat_cols(ye, 16), gap_ref[...], bep_ref[...], N)
        fpc2 = _leaky(ae * ye + ce, 0.2)
        yf = jnp.dot(w2_ref[...], fpc2, preferred_element_type=jnp.float32)
        af, cf = _affine_from(
            _stat_cols(yf, 32), g2p_ref[...], be2p_ref[...], N)
        ys = jnp.dot(ws_ref[...], feat_ref[...],
                     preferred_element_type=jnp.float32)
        pre = af * yf + cf + as_ref[...] * ys + cs_ref[...]
        out_ref[...] = _leaky(pre, 0.01)



def kernel(feature, xyz, neigh_idx, p):
    N = feature.shape[2]
    K = neigh_idx.shape[2]

    feat = feature[0, :, :, 0]
    xyz8 = jnp.concatenate(
        [jnp.transpose(xyz[0]), jnp.zeros((5, N), jnp.float32)], 0)
    idxt = jnp.transpose(neigh_idx[0]).astype(jnp.int32).reshape(-1)

    wb1 = jnp.concatenate([p['bb_w1'], jnp.zeros((8, 6), jnp.float32)], 1)

    plane = lambda c: pl.BlockSpec((1, c, N), lambda k: (k, 0, 0))
    const2 = lambda r, c: pl.BlockSpec((r, c), lambda k: (0, 0))
    sds = lambda *s: jax.ShapeDtypeStruct(s, jnp.float32)
    vs = lambda *s: pltpu.VMEM(s, jnp.float32)

    t1, sts = _pcall(
        functools.partial(_ka_body, N=N),
        out_shape=[sds(16, N), sds(32, 8)],
    )(feat, xyz8, p['w1'], p['ws'], p['g1'][:, None], p['be1'][:, None])
    as_, cs_ = _bn_affine(sts, p['gs'], p['bes'], N)

    g1 = _sc_gather(jnp.transpose(t1), idxt)
    g1t = jnp.transpose(g1.reshape(K, N, 16)[:, :, 0:11], (0, 2, 1))

    stb1 = _pcall(
        _k3_body, grid=(K,),
        in_specs=[plane(11), const2(8, N), const2(8, 16)],
        out_specs=const2(8, 8),
        out_shape=sds(8, 8),
    )(g1t, xyz8, wb1)
    ab1, cb1 = _bn_affine(stb1, p['bb_g1'], p['bb_be1'], N * K)

    t2, yd, std_ = _pcall(
        functools.partial(_k4_body, N=N), grid=(K,),
        in_specs=[plane(11), const2(8, N), const2(8, 16), const2(8, 1),
                  const2(8, 1), const2(16, 16), const2(8, 16), const2(8, 8),
                  const2(8, 1), const2(8, 1)],
        out_specs=[const2(8, N), plane(8), const2(8, 8)],
        out_shape=[sds(8, N), sds(K, 8, N), sds(8, 8)],
        scratch_shapes=[vs(16, N), vs(16, N), vs(16, N)],
    )(g1t, xyz8, wb1, ab1, cb1, p['ap1_fc'], p['ap1_w'], p['bb_w2'],
      p['ap1_g'][:, None], p['ap1_be'][:, None])
    ad, cd = _bn_affine(std_, p['bb_g2'], p['bb_be2'], N * K)

    g2 = _sc_gather(jnp.transpose(t2), idxt)
    g2t = jnp.transpose(g2.reshape(K, N, 8), (0, 2, 1))

    out_cn = _pcall(
        functools.partial(_k6_body, N=N), grid=(K,),
        in_specs=[plane(8), plane(8), const2(8, 1), const2(8, 1),
                  const2(16, 16), const2(16, 16), const2(16, 1),
                  const2(16, 1), const2(32, 16), const2(32, 1),
                  const2(32, 1), const2(8, N), const2(32, 8),
                  const2(32, 1), const2(32, 1)],
        out_specs=const2(32, N),
        out_shape=sds(32, N),
        scratch_shapes=[vs(16, N), vs(16, N), vs(16, N)],
    )(g2t, yd, ad, cd, p['ap2_fc'], p['ap2_w'],
      p['ap2_g'][:, None], p['ap2_be'][:, None], p['w2'],
      p['g2'][:, None], p['be2'][:, None], feat, p['ws'], as_, cs_)

    return out_cn[None, :, :, None]

# --- scband reference (transcript-rebuilt; emitter-appended) ---
"""Pipeline reference for scband-dilated-residual-block-68539088109652 (READ-ONLY COPY).

The authoritative reference and input builder live on the scoring server;
editing this copy changes nothing except your own understanding.
"""

import jax, jax.numpy as jnp
import numpy as np


def conv1x1(x, w, b):
    return jnp.einsum('bchw,oc->bohw', x, w) + b[None, :, None, None]


def bn(x, g, be, eps=1e-6):
    m = jnp.mean(x, axis=(0, 2, 3), keepdims=True)
    v = jnp.var(x, axis=(0, 2, 3), keepdims=True)
    return g[None, :, None, None] * (x - m) / jnp.sqrt(v + eps) + be[None, :, None, None]


def leaky(x):
    return jax.nn.leaky_relu(x, 0.2)


def gather_neighbour(pf, idx):
    B, N, F = pf.shape
    K = idx.shape[-1]
    flat = idx.reshape(B, -1)
    feats = jax.vmap(lambda p, i: p[i])(pf, flat)
    feats = feats.reshape(B, N, K, F)
    return jnp.transpose(feats, (0, 3, 1, 2))


def relative_pos_encoding(xyz, idx):
    K = idx.shape[-1]
    nx = gather_neighbour(xyz, idx)
    x = jnp.transpose(xyz, (0, 2, 1))[:, :, :, None]
    rep = jnp.tile(x, (1, 1, 1, K))
    rel = rep - nx
    dist = jnp.sqrt(jnp.sum(rel ** 2, axis=1, keepdims=True))
    return jnp.concatenate([dist, rel, rep, nx], axis=1)


def att_pool(x, fc_w, cw, cb, g, be):
    B, F, N, K = x.shape
    xp = jnp.transpose(x, (0, 2, 3, 1)).reshape(-1, K, F)
    att = xp @ fc_w.T
    score = jax.nn.softmax(att, axis=1)
    s = jnp.sum(xp * score, axis=1).reshape(B, N, F)
    s = jnp.transpose(s, (0, 2, 1))[:, :, :, None]
    return leaky(bn(conv1x1(s, cw, cb), g, be))


def forward(feature, xyz, neigh_idx, p):
    f_pc = leaky(bn(conv1x1(feature, p['w1'], p['b1']), p['g1'], p['be1']))
    f_xyz = relative_pos_encoding(xyz, neigh_idx)
    f_xyz1 = leaky(bn(conv1x1(f_xyz, p['bb_w1'], p['bb_b1']), p['bb_g1'], p['bb_be1']))
    feat = jnp.transpose(f_pc[:, :, :, 0], (0, 2, 1))
    f_n = gather_neighbour(feat, neigh_idx)
    f_c = jnp.concatenate([f_n, f_xyz1], axis=1)
    agg = att_pool(f_c, p['ap1_fc'], p['ap1_w'], p['ap1_b'], p['ap1_g'], p['ap1_be'])
    f_xyz2 = leaky(bn(conv1x1(f_xyz1, p['bb_w2'], p['bb_b2']), p['bb_g2'], p['bb_be2']))
    agg2 = jnp.transpose(agg[:, :, :, 0], (0, 2, 1))
    f_n2 = gather_neighbour(agg2, neigh_idx)
    f_c2 = jnp.concatenate([f_n2, f_xyz2], axis=1)
    f_pc2 = att_pool(f_c2, p['ap2_fc'], p['ap2_w'], p['ap2_b'], p['ap2_g'], p['ap2_be'])
    f_pc2 = bn(conv1x1(f_pc2, p['w2'], p['b2']), p['g2'], p['be2'])
    sc = bn(conv1x1(feature, p['ws'], p['bs']), p['gs'], p['bes'])
    return jax.nn.leaky_relu(f_pc2 + sc, 0.01)


def setup_inputs(seed: int = 0):
    key = jax.random.key(seed)
    B, N, K, f_in, d_out = 1, 50000, 16, 8, 16
    d = d_out // 2
    ks = [jax.random.fold_in(key, i) for i in range(16)]
    def w(k, shape):
        return jax.random.normal(k, shape, dtype=jnp.float32) * 0.05
    p = {
        'w1': w(ks[0], (d, f_in)), 'b1': jnp.zeros((d,), jnp.float32), 'g1': jnp.ones((d,), jnp.float32), 'be1': jnp.zeros((d,), jnp.float32),
        'bb_w1': w(ks[1], (d, 10)), 'bb_b1': jnp.zeros((d,), jnp.float32), 'bb_g1': jnp.ones((d,), jnp.float32), 'bb_be1': jnp.zeros((d,), jnp.float32),
        'ap1_fc': w(ks[2], (2 * d, 2 * d)), 'ap1_w': w(ks[3], (d, 2 * d)), 'ap1_b': jnp.zeros((d,), jnp.float32), 'ap1_g': jnp.ones((d,), jnp.float32), 'ap1_be': jnp.zeros((d,), jnp.float32),
        'bb_w2': w(ks[4], (d, d)), 'bb_b2': jnp.zeros((d,), jnp.float32), 'bb_g2': jnp.ones((d,), jnp.float32), 'bb_be2': jnp.zeros((d,), jnp.float32),
        'ap2_fc': w(ks[5], (2 * d, 2 * d)), 'ap2_w': w(ks[6], (d_out, 2 * d)), 'ap2_b': jnp.zeros((d_out,), jnp.float32), 'ap2_g': jnp.ones((d_out,), jnp.float32), 'ap2_be': jnp.zeros((d_out,), jnp.float32),
        'w2': w(ks[7], (2 * d_out, d_out)), 'b2': jnp.zeros((2 * d_out,), jnp.float32), 'g2': jnp.ones((2 * d_out,), jnp.float32), 'be2': jnp.zeros((2 * d_out,), jnp.float32),
        'ws': w(ks[8], (2 * d_out, f_in)), 'bs': jnp.zeros((2 * d_out,), jnp.float32), 'gs': jnp.ones((2 * d_out,), jnp.float32), 'bes': jnp.zeros((2 * d_out,), jnp.float32),
    }
    feature = jax.random.normal(ks[9], (B, f_in, N, 1), dtype=jnp.float32)
    xyz = jax.random.normal(ks[10], (B, N, 3), dtype=jnp.float32)
    neigh_idx = jax.random.randint(ks[11], (B, N, K), 0, N)
    return {'feature': feature, 'xyz': xyz, 'neigh_idx': neigh_idx, 'p': p}


def reference(feature, xyz, neigh_idx, p):
    return forward(feature, xyz, neigh_idx, p)

if __name__ == "__main__":
    import jax
    _d = setup_inputs()
    print(jax.jit(kernel)(*tuple(_d.values())))

</pallas_src>

<mosaic_0001>
#map = affine_map<(d0, d1) -> (0, 0)>
#map1 = affine_map<(d0, d1) -> (0)>
module attributes {stable_mosaic.version = 14 : i64} {
  func.func @k(%arg0: i32, %arg1: i32, %arg2: memref<50000x16xf32, #tpu.memory_space<hbm>>, %arg3: memref<800000xi32, #tpu.memory_space<hbm>>, %arg4: memref<800000x16xf32, #tpu.memory_space<hbm>>, %arg5: memref<5000xi32, #tpu.memory_space<vmem>>, %arg6: memref<5000x16xf32, #tpu.memory_space<vmem>>, %arg7: memref<!tpu.dma_semaphore, #tpu.memory_space<semaphore_mem>>) attributes {dimension_semantics = [#tpu.dimension_semantics<core_parallel>, #tpu.dimension_semantics<subcore_parallel>], iteration_bounds = array<i64: 2, 16>, scalar_prefetch = 0 : i64, scratch_operands = 3 : i64, tpu.core_type = #tpu.core_type<sc_vector_subcore>, window_params = [{transform_indices = #map}, {transform_indices = #map1}, {transform_indices = #map}]} {
    %mul3A = arith.constant 2 : i32
    %mul3A_0 = arith.muli %arg1, %mul3A : i32
    %add3A = arith.addi %mul3A_0, %arg0 : i32
    %scan3A = arith.constant 0 : i32
    %scan3A_1 = arith.constant 0 : i32
    %scan3A_2 = arith.constant 5 : i32
    %scan3A_3 = arith.addi %scan3A_1, %scan3A_2 : i32
    %scan3A_4 = arith.constant 1 : i32
    scf.for %scan3A_6 = %scan3A_1 to %scan3A_3 step %scan3A_4  : i32 {
      %mul3A_7 = arith.constant 32 : i32
      %mul3A_8 = arith.muli %scan3A_6, %mul3A_7 : i32
      %add3A_9 = arith.addi %mul3A_8, %add3A : i32
      %lt3A = arith.constant 160 : i32
      %lt3A_10 = arith.cmpi slt, %add3A_9, %lt3A : i32
      %convert_element_type3A = arith.extui %lt3A_10 : i1 to i32
      %cond3A = arith.constant 0 : i32
      %cond3A_11 = arith.cmpi ne, %convert_element_type3A, %cond3A : i32
      scf.if %cond3A_11 {
        %mul3A_12 = arith.constant 5000 : i32
        %mul3A_13 = arith.muli %add3A_9, %mul3A_12 : i32
        "tpu.region"() ({
          %run_scoped3A = tpu.sem_alloc : memref<!tpu.dma_semaphore, #tpu.memory_space<semaphore_mem>>
          %dma_start3A_18 = tpu.memref_slice %arg3[%mul3A_13] : memref<800000xi32, #tpu.memory_space<hbm>> -> memref<5000xi32, #tpu.memory_space<hbm>>
          %dma_start3A_19 = tpu.memref_slice %arg3[%mul3A_13] : memref<800000xi32, #tpu.memory_space<hbm>> -> memref<5000xi32, #tpu.memory_space<hbm>>
          tpu.enqueue_dma source(%dma_start3A_19 : memref<5000xi32, #tpu.memory_space<hbm>>) target(%arg5 : memref<5000xi32, #tpu.memory_space<vmem>>) target_semaphore(%run_scoped3A : memref<!tpu.dma_semaphore, #tpu.memory_space<semaphore_mem>>)
          %dma_wait3A_20 = tpu.memref_slice %arg3[%mul3A_13] : memref<800000xi32, #tpu.memory_space<hbm>> -> memref<5000xi32, #tpu.memory_space<hbm>>
          %dma_wait3A_21 = tpu.memref_slice %arg3[%mul3A_13] : memref<800000xi32, #tpu.memory_space<hbm>> -> memref<5000xi32, #tpu.memory_space<hbm>>
          tpu.wait_dma2 semaphore(%run_scoped3A : memref<!tpu.dma_semaphore, #tpu.memory_space<semaphore_mem>>) src(%dma_wait3A_21 : memref<5000xi32, #tpu.memory_space<hbm>>) dst(%arg5 : memref<5000xi32, #tpu.memory_space<vmem>>)
          tpu.yield
        }) : () -> ()
        %dma_start3A = arith.constant 0 : i32
        %dma_start3A_14 = arith.constant 0 : i32
        %dma_start3A_15 = tpu.memref_slice %arg2[%dma_start3A, %dma_start3A_14] : memref<50000x16xf32, #tpu.memory_space<hbm>> -> memref<50000x16xf32, #tpu.memory_space<hbm>>
        tpu.enqueue_indirect_dma source(%dma_start3A_15 : memref<50000x16xf32, #tpu.memory_space<hbm>>) target(%arg6 : memref<5000x16xf32, #tpu.memory_space<vmem>>) offsets(%arg5 : memref<5000xi32, #tpu.memory_space<vmem>>) semaphore(%arg7 : memref<!tpu.dma_semaphore, #tpu.memory_space<semaphore_mem>>)
        %dma_wait3A = arith.constant 0 : i32
        %dma_wait3A_16 = arith.constant 0 : i32
        %dma_wait3A_17 = tpu.memref_slice %arg2[%dma_wait3A, %dma_wait3A_16] : memref<50000x16xf32, #tpu.memory_space<hbm>> -> memref<50000x16xf32, #tpu.memory_space<hbm>>
        tpu.wait_indirect_dma semaphore(%arg7 : memref<!tpu.dma_semaphore, #tpu.memory_space<semaphore_mem>>) src(%dma_wait3A_17 : memref<50000x16xf32, #tpu.memory_space<hbm>>) dst(%arg6 : memref<5000x16xf32, #tpu.memory_space<vmem>>)
        "tpu.region"() ({
          %run_scoped3A = tpu.sem_alloc : memref<!tpu.dma_semaphore, #tpu.memory_space<semaphore_mem>>
          %dma_start3A_18 = arith.constant 0 : i32
          %dma_start3A_19 = tpu.memref_slice %arg4[%mul3A_13, %dma_start3A_18] : memref<800000x16xf32, #tpu.memory_space<hbm>> -> memref<5000x16xf32, #tpu.memory_space<hbm>>
          %dma_start3A_20 = arith.constant 0 : i32
          %dma_start3A_21 = tpu.memref_slice %arg4[%mul3A_13, %dma_start3A_20] : memref<800000x16xf32, #tpu.memory_space<hbm>> -> memref<5000x16xf32, #tpu.memory_space<hbm>>
          tpu.enqueue_dma source(%arg6 : memref<5000x16xf32, #tpu.memory_space<vmem>>) target(%dma_start3A_21 : memref<5000x16xf32, #tpu.memory_space<hbm>>) target_semaphore(%run_scoped3A : memref<!tpu.dma_semaphore, #tpu.memory_space<semaphore_mem>>)
          %dma_wait3A_22 = arith.constant 0 : i32
          %dma_wait3A_23 = tpu.memref_slice %arg4[%mul3A_13, %dma_wait3A_22] : memref<800000x16xf32, #tpu.memory_space<hbm>> -> memref<5000x16xf32, #tpu.memory_space<hbm>>
          %dma_wait3A_24 = arith.constant 0 : i32
          %dma_wait3A_25 = tpu.memref_slice %arg4[%mul3A_13, %dma_wait3A_24] : memref<800000x16xf32, #tpu.memory_space<hbm>> -> memref<5000x16xf32, #tpu.memory_space<hbm>>
          tpu.wait_dma2 semaphore(%run_scoped3A : memref<!tpu.dma_semaphore, #tpu.memory_space<semaphore_mem>>) src(%arg6 : memref<5000x16xf32, #tpu.memory_space<vmem>>) dst(%dma_wait3A_25 : memref<5000x16xf32, #tpu.memory_space<hbm>>)
          tpu.yield
        }) : () -> ()
      } else {
      }
    }
    %scan3A_5 = arith.constant 5 : i32
    return
  }
}

#map = affine_map<(d0, d1) -> (0, 0)>
#map1 = affine_map<(d0, d1) -> (0)>
module attributes {stable_mosaic.version = 14 : i64} {
  func.func @k(%arg0: i32, %arg1: i32, %arg2: memref<50000x8xf32, #tpu.memory_space<hbm>>, %arg3: memref<800000xi32, #tpu.memory_space<hbm>>, %arg4: memref<800000x8xf32, #tpu.memory_space<hbm>>, %arg5: memref<5000xi32, #tpu.memory_space<vmem>>, %arg6: memref<5000x8xf32, #tpu.memory_space<vmem>>, %arg7: memref<!tpu.dma_semaphore, #tpu.memory_space<semaphore_mem>>) attributes {dimension_semantics = [#tpu.dimension_semantics<core_parallel>, #tpu.dimension_semantics<subcore_parallel>], iteration_bounds = array<i64: 2, 16>, scalar_prefetch = 0 : i64, scratch_operands = 3 : i64, tpu.core_type = #tpu.core_type<sc_vector_subcore>, window_params = [{transform_indices = #map}, {transform_indices = #map1}, {transform_indices = #map}]} {
    %mul3A = arith.constant 2 : i32
    %mul3A_0 = arith.muli %arg1, %mul3A : i32
    %add3A = arith.addi %mul3A_0, %arg0 : i32
    %scan3A = arith.constant 0 : i32
    %scan3A_1 = arith.constant 0 : i32
    %scan3A_2 = arith.constant 5 : i32
    %scan3A_3 = arith.addi %scan3A_1, %scan3A_2 : i32
    %scan3A_4 = arith.constant 1 : i32
    scf.for %scan3A_6 = %scan3A_1 to %scan3A_3 step %scan3A_4  : i32 {
      %mul3A_7 = arith.constant 32 : i32
      %mul3A_8 = arith.muli %scan3A_6, %mul3A_7 : i32
      %add3A_9 = arith.addi %mul3A_8, %add3A : i32
      %lt3A = arith.constant 160 : i32
      %lt3A_10 = arith.cmpi slt, %add3A_9, %lt3A : i32
      %convert_element_type3A = arith.extui %lt3A_10 : i1 to i32
      %cond3A = arith.constant 0 : i32
      %cond3A_11 = arith.cmpi ne, %convert_element_type3A, %cond3A : i32
      scf.if %cond3A_11 {
        %mul3A_12 = arith.constant 5000 : i32
        %mul3A_13 = arith.muli %add3A_9, %mul3A_12 : i32
        "tpu.region"() ({
          %run_scoped3A = tpu.sem_alloc : memref<!tpu.dma_semaphore, #tpu.memory_space<semaphore_mem>>
          %dma_start3A_18 = tpu.memref_slice %arg3[%mul3A_13] : memref<800000xi32, #tpu.memory_space<hbm>> -> memref<5000xi32, #tpu.memory_space<hbm>>
          %dma_start3A_19 = tpu.memref_slice %arg3[%mul3A_13] : memref<800000xi32, #tpu.memory_space<hbm>> -> memref<5000xi32, #tpu.memory_space<hbm>>
          tpu.enqueue_dma source(%dma_start3A_19 : memref<5000xi32, #tpu.memory_space<hbm>>) target(%arg5 : memref<5000xi32, #tpu.memory_space<vmem>>) target_semaphore(%run_scoped3A : memref<!tpu.dma_semaphore, #tpu.memory_space<semaphore_mem>>)
          %dma_wait3A_20 = tpu.memref_slice %arg3[%mul3A_13] : memref<800000xi32, #tpu.memory_space<hbm>> -> memref<5000xi32, #tpu.memory_space<hbm>>
          %dma_wait3A_21 = tpu.memref_slice %arg3[%mul3A_13] : memref<800000xi32, #tpu.memory_space<hbm>> -> memref<5000xi32, #tpu.memory_space<hbm>>
          tpu.wait_dma2 semaphore(%run_scoped3A : memref<!tpu.dma_semaphore, #tpu.memory_space<semaphore_mem>>) src(%dma_wait3A_21 : memref<5000xi32, #tpu.memory_space<hbm>>) dst(%arg5 : memref<5000xi32, #tpu.memory_space<vmem>>)
          tpu.yield
        }) : () -> ()
        %dma_start3A = arith.constant 0 : i32
        %dma_start3A_14 = arith.constant 0 : i32
        %dma_start3A_15 = tpu.memref_slice %arg2[%dma_start3A, %dma_start3A_14] : memref<50000x8xf32, #tpu.memory_space<hbm>> -> memref<50000x8xf32, #tpu.memory_space<hbm>>
        tpu.enqueue_indirect_dma source(%dma_start3A_15 : memref<50000x8xf32, #tpu.memory_space<hbm>>) target(%arg6 : memref<5000x8xf32, #tpu.memory_space<vmem>>) offsets(%arg5 : memref<5000xi32, #tpu.memory_space<vmem>>) semaphore(%arg7 : memref<!tpu.dma_semaphore, #tpu.memory_space<semaphore_mem>>)
        %dma_wait3A = arith.constant 0 : i32
        %dma_wait3A_16 = arith.constant 0 : i32
        %dma_wait3A_17 = tpu.memref_slice %arg2[%dma_wait3A, %dma_wait3A_16] : memref<50000x8xf32, #tpu.memory_space<hbm>> -> memref<50000x8xf32, #tpu.memory_space<hbm>>
        tpu.wait_indirect_dma semaphore(%arg7 : memref<!tpu.dma_semaphore, #tpu.memory_space<semaphore_mem>>) src(%dma_wait3A_17 : memref<50000x8xf32, #tpu.memory_space<hbm>>) dst(%arg6 : memref<5000x8xf32, #tpu.memory_space<vmem>>)
        "tpu.region"() ({
          %run_scoped3A = tpu.sem_alloc : memref<!tpu.dma_semaphore, #tpu.memory_space<semaphore_mem>>
          %dma_start3A_18 = arith.constant 0 : i32
          %dma_start3A_19 = tpu.memref_slice %arg4[%mul3A_13, %dma_start3A_18] : memref<800000x8xf32, #tpu.memory_space<hbm>> -> memref<5000x8xf32, #tpu.memory_space<hbm>>
          %dma_start3A_20 = arith.constant 0 : i32
          %dma_start3A_21 = tpu.memref_slice %arg4[%mul3A_13, %dma_start3A_20] : memref<800000x8xf32, #tpu.memory_space<hbm>> -> memref<5000x8xf32, #tpu.memory_space<hbm>>
          tpu.enqueue_dma source(%arg6 : memref<5000x8xf32, #tpu.memory_space<vmem>>) target(%dma_start3A_21 : memref<5000x8xf32, #tpu.memory_space<hbm>>) target_semaphore(%run_scoped3A : memref<!tpu.dma_semaphore, #tpu.memory_space<semaphore_mem>>)
          %dma_wait3A_22 = arith.constant 0 : i32
          %dma_wait3A_23 = tpu.memref_slice %arg4[%mul3A_13, %dma_wait3A_22] : memref<800000x8xf32, #tpu.memory_space<hbm>> -> memref<5000x8xf32, #tpu.memory_space<hbm>>
          %dma_wait3A_24 = arith.constant 0 : i32
          %dma_wait3A_25 = tpu.memref_slice %arg4[%mul3A_13, %dma_wait3A_24] : memref<800000x8xf32, #tpu.memory_space<hbm>> -> memref<5000x8xf32, #tpu.memory_space<hbm>>
          tpu.wait_dma2 semaphore(%run_scoped3A : memref<!tpu.dma_semaphore, #tpu.memory_space<semaphore_mem>>) src(%arg6 : memref<5000x8xf32, #tpu.memory_space<vmem>>) dst(%dma_wait3A_25 : memref<5000x8xf32, #tpu.memory_space<hbm>>)
          tpu.yield
        }) : () -> ()
      } else {
      }
    }
    %scan3A_5 = arith.constant 5 : i32
    return
  }
}

module attributes {stable_mosaic.version = 14 : i64} {
  func.func @_ka_body(%arg0: memref<8x50000xf32, #tpu.memory_space<vmem>>, %arg1: memref<8x50000xf32, #tpu.memory_space<vmem>>, %arg2: memref<8x8xf32, #tpu.memory_space<vmem>>, %arg3: memref<32x8xf32, #tpu.memory_space<vmem>>, %arg4: memref<8x1xf32, #tpu.memory_space<vmem>>, %arg5: memref<8x1xf32, #tpu.memory_space<vmem>>, %arg6: memref<16x50000xf32, #tpu.memory_space<vmem>>, %arg7: memref<32x8xf32, #tpu.memory_space<vmem>>) attributes {dimension_semantics = [], scalar_prefetch = 0 : i64, scratch_operands = 0 : i64, tpu.core_type = #tpu.core_type<tc>} {
    %get3A = arith.constant 0 : index
    %get3A_0 = arith.constant 0 : index
    %get3A_1 = vector.load %arg0[%get3A, %get3A_0] : memref<8x50000xf32, #tpu.memory_space<vmem>>, vector<8x50000xf32>
    %get3A_2 = arith.constant 0 : index
    %get3A_3 = arith.constant 0 : index
    %get3A_4 = vector.load %arg2[%get3A_2, %get3A_3] : memref<8x8xf32, #tpu.memory_space<vmem>>, vector<8x8xf32>
    %dot_general3A = arith.constant dense<0.000000e+00> : vector<8x50000xf32>
    %dot_general3A_5 = tpu.matmul %get3A_4, %get3A_1, %dot_general3A {dimension_numbers = #tpu.dot_dimension_numbers<[1], [0], [0], [1], [0, 0, 1, 1], [], []>, transpose_lhs_hint = false} : vector<8x8xf32>, vector<8x50000xf32>, vector<8x50000xf32> -> vector<8x50000xf32>
    %reduce_sum3A = arith.constant dense<0.000000e+00> : vector<8xf32>
    %reduce_sum3A_6 = vector.multi_reduction <add>, %dot_general3A_5, %reduce_sum3A [1] : vector<8x50000xf32> to vector<8xf32>
    %broadcast_in_dim3A = vector.shape_cast %reduce_sum3A_6 : vector<8xf32> to vector<8x1xf32>
    %mul3A = arith.mulf %dot_general3A_5, %dot_general3A_5 : vector<8x50000xf32>
    %reduce_sum3A_7 = arith.constant dense<0.000000e+00> : vector<8xf32>
    %reduce_sum3A_8 = vector.multi_reduction <add>, %mul3A, %reduce_sum3A_7 [1] : vector<8x50000xf32> to vector<8xf32>
    %broadcast_in_dim3A_9 = vector.shape_cast %reduce_sum3A_8 : vector<8xf32> to vector<8x1xf32>
    %broadcast_in_dim3A_10 = arith.constant 0.000000e+00 : f32
    %broadcast_in_dim3A_11 = vector.broadcast %broadcast_in_dim3A_10 : f32 to vector<8x6xf32>
    %concatenate3A = tpu.concatenate %broadcast_in_dim3A, %broadcast_in_dim3A_9, %broadcast_in_dim3A_11 in 1 : vector<8x1xf32>, vector<8x1xf32>, vector<8x6xf32> -> vector<8x8xf32>
    %get3A_12 = arith.constant 0 : index
    %get3A_13 = arith.constant 0 : index
    %get3A_14 = vector.load %arg4[%get3A_12, %get3A_13] : memref<8x1xf32, #tpu.memory_space<vmem>>, vector<8x1xf32>
    %get3A_15 = arith.constant 0 : index
    %get3A_16 = arith.constant 0 : index
    %get3A_17 = vector.load %arg5[%get3A_15, %get3A_16] : memref<8x1xf32, #tpu.memory_space<vmem>>, vector<8x1xf32>
    %slice3A = vector.extract_strided_slice %concatenate3A {offsets = [0, 0], sizes = [8, 1], strides = [1, 1]} : vector<8x8xf32> to vector<8x1xf32>
    %div3A = arith.constant 5.000000e+04 : f32
    %div3A_18 = vector.broadcast %div3A : f32 to vector<8x1xf32>
    %div3A_19 = arith.divf %slice3A, %div3A_18 : vector<8x1xf32>
    %slice3A_20 = vector.extract_strided_slice %concatenate3A {offsets = [0, 1], sizes = [8, 1], strides = [1, 1]} : vector<8x8xf32> to vector<8x1xf32>
    %div3A_21 = arith.constant 5.000000e+04 : f32
    %div3A_22 = vector.broadcast %div3A_21 : f32 to vector<8x1xf32>
    %div3A_23 = arith.divf %slice3A_20, %div3A_22 : vector<8x1xf32>
    %mul3A_24 = arith.mulf %div3A_19, %div3A_19 : vector<8x1xf32>
    %sub3A = arith.subf %div3A_23, %mul3A_24 : vector<8x1xf32>
    %add3A = arith.constant 9.99999997E-7 : f32
    %add3A_25 = vector.broadcast %add3A : f32 to vector<8x1xf32>
    %add3A_26 = arith.addf %sub3A, %add3A_25 : vector<8x1xf32>
    %sqrt3A = math.sqrt %add3A_26 : vector<8x1xf32>
    %div3A_27 = arith.divf %get3A_14, %sqrt3A : vector<8x1xf32>
    %mul3A_28 = arith.mulf %div3A_27, %div3A_19 : vector<8x1xf32>
    %sub3A_29 = arith.subf %get3A_17, %mul3A_28 : vector<8x1xf32>
    %mul3A_30 = vector.broadcast %div3A_27 : vector<8x1xf32> to vector<8x50000xf32>
    %mul3A_31 = arith.mulf %mul3A_30, %dot_general3A_5 : vector<8x50000xf32>
    %add3A_32 = vector.broadcast %sub3A_29 : vector<8x1xf32> to vector<8x50000xf32>
    %add3A_33 = arith.addf %mul3A_31, %add3A_32 : vector<8x50000xf32>
    %ge3A = arith.constant 0.000000e+00 : f32
    %ge3A_34 = vector.broadcast %ge3A : f32 to vector<8x50000xf32>
    %ge3A_35 = arith.cmpf oge, %add3A_33, %ge3A_34 : vector<8x50000xf32>
    %mul3A_36 = arith.constant 2.000000e-01 : f32
    %mul3A_37 = vector.broadcast %mul3A_36 : f32 to vector<8x50000xf32>
    %mul3A_38 = arith.mulf %mul3A_37, %add3A_33 : vector<8x50000xf32>
    %select_n3A = arith.select %ge3A_35, %add3A_33, %mul3A_38 : vector<8x50000xi1>, vector<8x50000xf32>
    %get3A_39 = arith.constant 0 : index
    %get3A_40 = arith.constant 0 : index
    %get3A_41 = vector.load %arg1[%get3A_39, %get3A_40] : memref<8x50000xf32, #tpu.memory_space<vmem>>, vector<8x50000xf32>
    %concatenate3A_42 = tpu.concatenate %select_n3A, %get3A_41 in 0 : vector<8x50000xf32>, vector<8x50000xf32> -> vector<16x50000xf32>
    %swap3A = arith.constant 0 : index
    %swap3A_43 = arith.constant 0 : index
    %swap3A_44 = vector.load %arg6[%swap3A, %swap3A_43] : memref<16x50000xf32, #tpu.memory_space<vmem>>, vector<16x50000xf32>
    tpu.vector_store %arg6[%swap3A, %swap3A_43], %concatenate3A_42 {strides = array<i32>} : memref<16x50000xf32, #tpu.memory_space<vmem>>, vector<16x50000xf32>,
    %get3A_45 = arith.constant 0 : index
    %get3A_46 = arith.constant 0 : index
    %get3A_47 = vector.load %arg3[%get3A_45, %get3A_46] : memref<32x8xf32, #tpu.memory_space<vmem>>, vector<32x8xf32>
    %dot_general3A_48 = arith.constant dense<0.000000e+00> : vector<32x50000xf32>
    %dot_general3A_49 = tpu.matmul %get3A_47, %get3A_1, %dot_general3A_48 {dimension_numbers = #tpu.dot_dimension_numbers<[1], [0], [0], [1], [0, 0, 1, 1], [], []>, transpose_lhs_hint = false} : vector<32x8xf32>, vector<8x50000xf32>, vector<32x50000xf32> -> vector<32x50000xf32>
    %reduce_sum3A_50 = arith.constant dense<0.000000e+00> : vector<32xf32>
    %reduce_sum3A_51 = vector.multi_reduction <add>, %dot_general3A_49, %reduce_sum3A_50 [1] : vector<32x50000xf32> to vector<32xf32>
    %broadcast_in_dim3A_52 = vector.shape_cast %reduce_sum3A_51 : vector<32xf32> to vector<32x1xf32>
    %mul3A_53 = arith.mulf %dot_general3A_49, %dot_general3A_49 : vector<32x50000xf32>
    %reduce_sum3A_54 = arith.constant dense<0.000000e+00> : vector<32xf32>
    %reduce_sum3A_55 = vector.multi_reduction <add>, %mul3A_53, %reduce_sum3A_54 [1] : vector<32x50000xf32> to vector<32xf32>
    %broadcast_in_dim3A_56 = vector.shape_cast %reduce_sum3A_55 : vector<32xf32> to vector<32x1xf32>
    %broadcast_in_dim3A_57 = arith.constant 0.000000e+00 : f32
    %broadcast_in_dim3A_58 = vector.broadcast %broadcast_in_dim3A_57 : f32 to vector<32x6xf32>
    %concatenate3A_59 = tpu.concatenate %broadcast_in_dim3A_52, %broadcast_in_dim3A_56, %broadcast_in_dim3A_58 in 1 : vector<32x1xf32>, vector<32x1xf32>, vector<32x6xf32> -> vector<32x8xf32>
    %swap3A_60 = arith.constant 0 : index
    %swap3A_61 = arith.constant 0 : index
    %swap3A_62 = vector.load %arg7[%swap3A_60, %swap3A_61] : memref<32x8xf32, #tpu.memory_space<vmem>>, vector<32x8xf32>
    tpu.vector_store %arg7[%swap3A_60, %swap3A_61], %concatenate3A_59 {strides = array<i32>} : memref<32x8xf32, #tpu.memory_space<vmem>>, vector<32x8xf32>,
    return
  }
}

module attributes {stable_mosaic.version = 14 : i64} {
  func.func @_k3_body(%arg0: i32, %arg1: memref<1x11x50000xf32, #tpu.memory_space<vmem>>, %arg2: memref<8x50000xf32, #tpu.memory_space<vmem>>, %arg3: memref<8x16xf32, #tpu.memory_space<vmem>>, %arg4: memref<8x8xf32, #tpu.memory_space<vmem>>) attributes {dimension_semantics = [#tpu.dimension_semantics<arbitrary>], iteration_bounds = array<i64: 16>, scalar_prefetch = 0 : i64, scratch_operands = 0 : i64, tpu.core_type = #tpu.core_type<tc>, window_params = [{transform_indices = @transform_0, window_bounds = array<i64: 1, 11, 50000>}, {pipeline_mode = #tpu.pipeline_mode<synchronous>, transform_indices = @transform_1, window_bounds = array<i64: 8, 50000>}, {pipeline_mode = #tpu.pipeline_mode<synchronous>, transform_indices = @transform_2, window_bounds = array<i64: 8, 16>}, {pipeline_mode = #tpu.pipeline_mode<synchronous>, transform_indices = @transform_3, window_bounds = array<i64: 8, 8>}]} {
    %eq3A = arith.constant 0 : i32
    %eq3A_0 = arith.cmpi eq, %arg0, %eq3A : i32
    %get3A = arith.constant 0 : index
    %get3A_1 = arith.constant 0 : index
    %get3A_2 = arith.constant 0 : index
    %get3A_3 = vector.load %arg1[%get3A, %get3A_1, %get3A_2] : memref<1x11x50000xf32, #tpu.memory_space<vmem>>, vector<1x11x50000xf32>
    %get3A_4 = vector.shape_cast %get3A_3 : vector<1x11x50000xf32> to vector<11x50000xf32>
    %get3A_5 = arith.constant 0 : index
    %get3A_6 = arith.constant 0 : index
    %get3A_7 = vector.load %arg2[%get3A_5, %get3A_6] : memref<8x50000xf32, #tpu.memory_space<vmem>>, vector<3x50000xf32>
    %slice3A = vector.extract_strided_slice %get3A_4 {offsets = [8, 0], sizes = [3, 50000], strides = [1, 1]} : vector<11x50000xf32> to vector<3x50000xf32>
    %sub3A = arith.subf %get3A_7, %slice3A : vector<3x50000xf32>
    %mul3A = arith.mulf %sub3A, %sub3A : vector<3x50000xf32>
    %reduce_sum3A = arith.constant dense<0.000000e+00> : vector<50000xf32>
    %reduce_sum3A_8 = vector.multi_reduction <add>, %mul3A, %reduce_sum3A [0] : vector<3x50000xf32> to vector<50000xf32>
    %broadcast_in_dim3A = vector.shape_cast %reduce_sum3A_8 : vector<50000xf32> to vector<1x50000xf32>
    %sqrt3A = math.sqrt %broadcast_in_dim3A : vector<1x50000xf32>
    %broadcast_in_dim3A_9 = arith.constant 0.000000e+00 : f32
    %broadcast_in_dim3A_10 = vector.broadcast %broadcast_in_dim3A_9 : f32 to vector<6x50000xf32>
    %concatenate3A = tpu.concatenate %sqrt3A, %sub3A, %get3A_7, %slice3A, %broadcast_in_dim3A_10 in 0 : vector<1x50000xf32>, vector<3x50000xf32>, vector<3x50000xf32>, vector<3x50000xf32>, vector<6x50000xf32> -> vector<16x50000xf32>
    %get3A_11 = arith.constant 0 : index
    %get3A_12 = arith.constant 0 : index
    %get3A_13 = vector.load %arg3[%get3A_11, %get3A_12] : memref<8x16xf32, #tpu.memory_space<vmem>>, vector<8x16xf32>
    %dot_general3A = arith.constant dense<0.000000e+00> : vector<8x50000xf32>
    %dot_general3A_14 = tpu.matmul %get3A_13, %concatenate3A, %dot_general3A {dimension_numbers = #tpu.dot_dimension_numbers<[1], [0], [0], [1], [0, 0, 1, 1], [], []>, transpose_lhs_hint = false} : vector<8x16xf32>, vector<16x50000xf32>, vector<8x50000xf32> -> vector<8x50000xf32>
    %reduce_sum3A_15 = arith.constant dense<0.000000e+00> : vector<8xf32>
    %reduce_sum3A_16 = vector.multi_reduction <add>, %dot_general3A_14, %reduce_sum3A_15 [1] : vector<8x50000xf32> to vector<8xf32>
    %broadcast_in_dim3A_17 = vector.shape_cast %reduce_sum3A_16 : vector<8xf32> to vector<8x1xf32>
    %mul3A_18 = arith.mulf %dot_general3A_14, %dot_general3A_14 : vector<8x50000xf32>
    %reduce_sum3A_19 = arith.constant dense<0.000000e+00> : vector<8xf32>
    %reduce_sum3A_20 = vector.multi_reduction <add>, %mul3A_18, %reduce_sum3A_19 [1] : vector<8x50000xf32> to vector<8xf32>
    %broadcast_in_dim3A_21 = vector.shape_cast %reduce_sum3A_20 : vector<8xf32> to vector<8x1xf32>
    %broadcast_in_dim3A_22 = arith.constant 0.000000e+00 : f32
    %broadcast_in_dim3A_23 = vector.broadcast %broadcast_in_dim3A_22 : f32 to vector<8x6xf32>
    %concatenate3A_24 = tpu.concatenate %broadcast_in_dim3A_17, %broadcast_in_dim3A_21, %broadcast_in_dim3A_23 in 1 : vector<8x1xf32>, vector<8x1xf32>, vector<8x6xf32> -> vector<8x8xf32>
    %convert_element_type3A = arith.extui %eq3A_0 : i1 to i32
    %cond3A = arith.constant 0 : i32
    %cond3A_25 = arith.cmpi ne, %convert_element_type3A, %cond3A : i32
    scf.if %cond3A_25 {
      %swap3A = arith.constant 0 : index
      %swap3A_30 = arith.constant 0 : index
      %swap3A_31 = vector.load %arg4[%swap3A, %swap3A_30] : memref<8x8xf32, #tpu.memory_space<vmem>>, vector<8x8xf32>
      tpu.vector_store %arg4[%swap3A, %swap3A_30], %concatenate3A_24 {strides = array<i32>} : memref<8x8xf32, #tpu.memory_space<vmem>>, vector<8x8xf32>,
    } else {
    }
    %not3A = arith.constant true
    %not3A_26 = arith.xori %eq3A_0, %not3A : i1
    %convert_element_type3A_27 = arith.extui %not3A_26 : i1 to i32
    %cond3A_28 = arith.constant 0 : i32
    %cond3A_29 = arith.cmpi ne, %convert_element_type3A_27, %cond3A_28 : i32
    scf.if %cond3A_29 {
      %get3A_30 = arith.constant 0 : index
      %get3A_31 = arith.constant 0 : index
      %get3A_32 = vector.load %arg4[%get3A_30, %get3A_31] : memref<8x8xf32, #tpu.memory_space<vmem>>, vector<8x8xf32>
      %add3A = arith.addf %get3A_32, %concatenate3A_24 : vector<8x8xf32>
      %swap3A = arith.constant 0 : index
      %swap3A_33 = arith.constant 0 : index
      %swap3A_34 = vector.load %arg4[%swap3A, %swap3A_33] : memref<8x8xf32, #tpu.memory_space<vmem>>, vector<8x8xf32>
      tpu.vector_store %arg4[%swap3A, %swap3A_33], %add3A {strides = array<i32>} : memref<8x8xf32, #tpu.memory_space<vmem>>, vector<8x8xf32>,
    } else {
    }
    return
  }
  func.func @transform_0(%arg0: i32) -> (i32, i32, i32) {
    %c0_i32 = arith.constant 0 : i32
    %c0_i32_0 = arith.constant 0 : i32
    %c0_i32_1 = arith.constant 0 : i32
    return %arg0, %c0_i32, %c0_i32_0 : i32, i32, i32
  }
  func.func @transform_1(%arg0: i32) -> (i32, i32) {
    %c0_i32 = arith.constant 0 : i32
    %c0_i32_0 = arith.constant 0 : i32
    %c0_i32_1 = arith.constant 0 : i32
    return %c0_i32, %c0_i32_0 : i32, i32
  }
  func.func @transform_2(%arg0: i32) -> (i32, i32) {
    %c0_i32 = arith.constant 0 : i32
    %c0_i32_0 = arith.constant 0 : i32
    %c0_i32_1 = arith.constant 0 : i32
    return %c0_i32, %c0_i32_0 : i32, i32
  }
  func.func @transform_3(%arg0: i32) -> (i32, i32) {
    %c0_i32 = arith.constant 0 : i32
    %c0_i32_0 = arith.constant 0 : i32
    %c0_i32_1 = arith.constant 0 : i32
    return %c0_i32, %c0_i32_0 : i32, i32
  }
}

module attributes {stable_mosaic.version = 14 : i64} {
  func.func @_k4_body(%arg0: i32, %arg1: memref<1x11x50000xf32, #tpu.memory_space<vmem>>, %arg2: memref<8x50000xf32, #tpu.memory_space<vmem>>, %arg3: memref<8x16xf32, #tpu.memory_space<vmem>>, %arg4: memref<8x1xf32, #tpu.memory_space<vmem>>, %arg5: memref<8x1xf32, #tpu.memory_space<vmem>>, %arg6: memref<16x16xf32, #tpu.memory_space<vmem>>, %arg7: memref<8x16xf32, #tpu.memory_space<vmem>>, %arg8: memref<8x8xf32, #tpu.memory_space<vmem>>, %arg9: memref<8x1xf32, #tpu.memory_space<vmem>>, %arg10: memref<8x1xf32, #tpu.memory_space<vmem>>, %arg11: memref<8x50000xf32, #tpu.memory_space<vmem>>, %arg12: memref<1x8x50000xf32, #tpu.memory_space<vmem>>, %arg13: memref<8x8xf32, #tpu.memory_space<vmem>>, %arg14: memref<16x50000xf32, #tpu.memory_space<vmem>>, %arg15: memref<16x50000xf32, #tpu.memory_space<vmem>>, %arg16: memref<16x50000xf32, #tpu.memory_space<vmem>>) attributes {dimension_semantics = [#tpu.dimension_semantics<arbitrary>], iteration_bounds = array<i64: 16>, scalar_prefetch = 0 : i64, scratch_operands = 3 : i64, tpu.core_type = #tpu.core_type<tc>, window_params = [{transform_indices = @transform_0, window_bounds = array<i64: 1, 11, 50000>}, {pipeline_mode = #tpu.pipeline_mode<synchronous>, transform_indices = @transform_1, window_bounds = array<i64: 8, 50000>}, {pipeline_mode = #tpu.pipeline_mode<synchronous>, transform_indices = @transform_2, window_bounds = array<i64: 8, 16>}, {pipeline_mode = #tpu.pipeline_mode<synchronous>, transform_indices = @transform_3, window_bounds = array<i64: 8, 1>}, {pipeline_mode = #tpu.pipeline_mode<synchronous>, transform_indices = @transform_4, window_bounds = array<i64: 8, 1>}, {pipeline_mode = #tpu.pipeline_mode<synchronous>, transform_indices = @transform_5, window_bounds = array<i64: 16, 16>}, {pipeline_mode = #tpu.pipeline_mode<synchronous>, transform_indices = @transform_6, window_bounds = array<i64: 8, 16>}, {pipeline_mode = #tpu.pipeline_mode<synchronous>, transform_indices = @transform_7, window_bounds = array<i64: 8, 8>}, {pipeline_mode = #tpu.pipeline_mode<synchronous>, transform_indices = @transform_8, window_bounds = array<i64: 8, 1>}, {pipeline_mode = #tpu.pipeline_mode<synchronous>, transform_indices = @transform_9, window_bounds = array<i64: 8, 1>}, {pipeline_mode = #tpu.pipeline_mode<synchronous>, transform_indices = @transform_10, window_bounds = array<i64: 8, 50000>}, {transform_indices = @transform_11, window_bounds = array<i64: 1, 8, 50000>}, {pipeline_mode = #tpu.pipeline_mode<synchronous>, transform_indices = @transform_12, window_bounds = array<i64: 8, 8>}]} {
    %get3A = arith.constant 0 : index
    %get3A_0 = arith.constant 0 : index
    %get3A_1 = arith.constant 0 : index
    %get3A_2 = vector.load %arg1[%get3A, %get3A_0, %get3A_1] : memref<1x11x50000xf32, #tpu.memory_space<vmem>>, vector<1x11x50000xf32>
    %get3A_3 = vector.shape_cast %get3A_2 : vector<1x11x50000xf32> to vector<11x50000xf32>
    %get3A_4 = arith.constant 0 : index
    %get3A_5 = arith.constant 0 : index
    %get3A_6 = vector.load %arg2[%get3A_4, %get3A_5] : memref<8x50000xf32, #tpu.memory_space<vmem>>, vector<3x50000xf32>
    %slice3A = vector.extract_strided_slice %get3A_3 {offsets = [8, 0], sizes = [3, 50000], strides = [1, 1]} : vector<11x50000xf32> to vector<3x50000xf32>
    %sub3A = arith.subf %get3A_6, %slice3A : vector<3x50000xf32>
    %mul3A = arith.mulf %sub3A, %sub3A : vector<3x50000xf32>
    %reduce_sum3A = arith.constant dense<0.000000e+00> : vector<50000xf32>
    %reduce_sum3A_7 = vector.multi_reduction <add>, %mul3A, %reduce_sum3A [0] : vector<3x50000xf32> to vector<50000xf32>
    %broadcast_in_dim3A = vector.shape_cast %reduce_sum3A_7 : vector<50000xf32> to vector<1x50000xf32>
    %sqrt3A = math.sqrt %broadcast_in_dim3A : vector<1x50000xf32>
    %broadcast_in_dim3A_8 = arith.constant 0.000000e+00 : f32
    %broadcast_in_dim3A_9 = vector.broadcast %broadcast_in_dim3A_8 : f32 to vector<6x50000xf32>
    %concatenate3A = tpu.concatenate %sqrt3A, %sub3A, %get3A_6, %slice3A, %broadcast_in_dim3A_9 in 0 : vector<1x50000xf32>, vector<3x50000xf32>, vector<3x50000xf32>, vector<3x50000xf32>, vector<6x50000xf32> -> vector<16x50000xf32>
    %get3A_10 = arith.constant 0 : index
    %get3A_11 = arith.constant 0 : index
    %get3A_12 = vector.load %arg3[%get3A_10, %get3A_11] : memref<8x16xf32, #tpu.memory_space<vmem>>, vector<8x16xf32>
    %dot_general3A = arith.constant dense<0.000000e+00> : vector<8x50000xf32>
    %dot_general3A_13 = tpu.matmul %get3A_12, %concatenate3A, %dot_general3A {dimension_numbers = #tpu.dot_dimension_numbers<[1], [0], [0], [1], [0, 0, 1, 1], [], []>, transpose_lhs_hint = false} : vector<8x16xf32>, vector<16x50000xf32>, vector<8x50000xf32> -> vector<8x50000xf32>
    %get3A_14 = arith.constant 0 : index
    %get3A_15 = arith.constant 0 : index
    %get3A_16 = vector.load %arg4[%get3A_14, %get3A_15] : memref<8x1xf32, #tpu.memory_space<vmem>>, vector<8x1xf32>
    %mul3A_17 = vector.broadcast %get3A_16 : vector<8x1xf32> to vector<8x50000xf32>
    %mul3A_18 = arith.mulf %mul3A_17, %dot_general3A_13 : vector<8x50000xf32>
    %get3A_19 = arith.constant 0 : index
    %get3A_20 = arith.constant 0 : index
    %get3A_21 = vector.load %arg5[%get3A_19, %get3A_20] : memref<8x1xf32, #tpu.memory_space<vmem>>, vector<8x1xf32>
    %add3A = vector.broadcast %get3A_21 : vector<8x1xf32> to vector<8x50000xf32>
    %add3A_22 = arith.addf %mul3A_18, %add3A : vector<8x50000xf32>
    %ge3A = arith.constant 0.000000e+00 : f32
    %ge3A_23 = vector.broadcast %ge3A : f32 to vector<8x50000xf32>
    %ge3A_24 = arith.cmpf oge, %add3A_22, %ge3A_23 : vector<8x50000xf32>
    %mul3A_25 = arith.constant 2.000000e-01 : f32
    %mul3A_26 = vector.broadcast %mul3A_25 : f32 to vector<8x50000xf32>
    %mul3A_27 = arith.mulf %mul3A_26, %add3A_22 : vector<8x50000xf32>
    %select_n3A = arith.select %ge3A_24, %add3A_22, %mul3A_27 : vector<8x50000xi1>, vector<8x50000xf32>
    %slice3A_28 = vector.extract_strided_slice %get3A_3 {offsets = [0, 0], sizes = [8, 50000], strides = [1, 1]} : vector<11x50000xf32> to vector<8x50000xf32>
    %concatenate3A_29 = tpu.concatenate %slice3A_28, %select_n3A in 0 : vector<8x50000xf32>, vector<8x50000xf32> -> vector<16x50000xf32>
    %get3A_30 = arith.constant 0 : index
    %get3A_31 = arith.constant 0 : index
    %get3A_32 = vector.load %arg6[%get3A_30, %get3A_31] : memref<16x16xf32, #tpu.memory_space<vmem>>, vector<16x16xf32>
    %dot_general3A_33 = arith.constant dense<0.000000e+00> : vector<16x50000xf32>
    %dot_general3A_34 = tpu.matmul %get3A_32, %concatenate3A_29, %dot_general3A_33 {dimension_numbers = #tpu.dot_dimension_numbers<[1], [0], [0], [1], [0, 0, 1, 1], [], []>, transpose_lhs_hint = false} : vector<16x16xf32>, vector<16x50000xf32>, vector<16x50000xf32> -> vector<16x50000xf32>
    %get3A_35 = arith.constant 0 : index
    %get3A_36 = arith.constant 0 : index
    %get3A_37 = vector.load %arg8[%get3A_35, %get3A_36] : memref<8x8xf32, #tpu.memory_space<vmem>>, vector<8x8xf32>
    %dot_general3A_38 = arith.constant dense<0.000000e+00> : vector<8x50000xf32>
    %dot_general3A_39 = tpu.matmul %get3A_37, %select_n3A, %dot_general3A_38 {dimension_numbers = #tpu.dot_dimension_numbers<[1], [0], [0], [1], [0, 0, 1, 1], [], []>, transpose_lhs_hint = false} : vector<8x8xf32>, vector<8x50000xf32>, vector<8x50000xf32> -> vector<8x50000xf32>
    %swap3A = arith.constant 0 : index
    %swap3A_40 = arith.constant 0 : index
    %swap3A_41 = arith.constant 0 : index
    %swap3A_42 = vector.load %arg12[%swap3A, %swap3A_40, %swap3A_41] : memref<1x8x50000xf32, #tpu.memory_space<vmem>>, vector<1x8x50000xf32>
    %swap3A_43 = vector.shape_cast %swap3A_42 : vector<1x8x50000xf32> to vector<8x50000xf32>
    %swap3A_44 = vector.shape_cast %dot_general3A_39 : vector<8x50000xf32> to vector<1x8x50000xf32>
    tpu.vector_store %arg12[%swap3A, %swap3A_40, %swap3A_41], %swap3A_44 {strides = array<i32>} : memref<1x8x50000xf32, #tpu.memory_space<vmem>>, vector<1x8x50000xf32>,
    %reduce_sum3A_45 = arith.constant dense<0.000000e+00> : vector<8xf32>
    %reduce_sum3A_46 = vector.multi_reduction <add>, %dot_general3A_39, %reduce_sum3A_45 [1] : vector<8x50000xf32> to vector<8xf32>
    %broadcast_in_dim3A_47 = vector.shape_cast %reduce_sum3A_46 : vector<8xf32> to vector<8x1xf32>
    %mul3A_48 = arith.mulf %dot_general3A_39, %dot_general3A_39 : vector<8x50000xf32>
    %reduce_sum3A_49 = arith.constant dense<0.000000e+00> : vector<8xf32>
    %reduce_sum3A_50 = vector.multi_reduction <add>, %mul3A_48, %reduce_sum3A_49 [1] : vector<8x50000xf32> to vector<8xf32>
    %broadcast_in_dim3A_51 = vector.shape_cast %reduce_sum3A_50 : vector<8xf32> to vector<8x1xf32>
    %broadcast_in_dim3A_52 = arith.constant 0.000000e+00 : f32
    %broadcast_in_dim3A_53 = vector.broadcast %broadcast_in_dim3A_52 : f32 to vector<8x6xf32>
    %concatenate3A_54 = tpu.concatenate %broadcast_in_dim3A_47, %broadcast_in_dim3A_51, %broadcast_in_dim3A_53 in 1 : vector<8x1xf32>, vector<8x1xf32>, vector<8x6xf32> -> vector<8x8xf32>
    %eq3A = arith.constant 0 : i32
    %eq3A_55 = arith.cmpi eq, %arg0, %eq3A : i32
    %convert_element_type3A = arith.extui %eq3A_55 : i1 to i32
    %cond3A = arith.constant 0 : i32
    %cond3A_56 = arith.cmpi ne, %convert_element_type3A, %cond3A : i32
    scf.if %cond3A_56 {
      %swap3A_75 = arith.constant 0 : index
      %swap3A_76 = arith.constant 0 : index
      %swap3A_77 = vector.load %arg13[%swap3A_75, %swap3A_76] : memref<8x8xf32, #tpu.memory_space<vmem>>, vector<8x8xf32>
      tpu.vector_store %arg13[%swap3A_75, %swap3A_76], %concatenate3A_54 {strides = array<i32>} : memref<8x8xf32, #tpu.memory_space<vmem>>, vector<8x8xf32>,
    } else {
    }
    %not3A = arith.constant true
    %not3A_57 = arith.xori %eq3A_55, %not3A : i1
    %convert_element_type3A_58 = arith.extui %not3A_57 : i1 to i32
    %cond3A_59 = arith.constant 0 : i32
    %cond3A_60 = arith.cmpi ne, %convert_element_type3A_58, %cond3A_59 : i32
    scf.if %cond3A_60 {
      %get3A_75 = arith.constant 0 : index
      %get3A_76 = arith.constant 0 : index
      %get3A_77 = vector.load %arg13[%get3A_75, %get3A_76] : memref<8x8xf32, #tpu.memory_space<vmem>>, vector<8x8xf32>
      %add3A_78 = arith.addf %get3A_77, %concatenate3A_54 : vector<8x8xf32>
      %swap3A_79 = arith.constant 0 : index
      %swap3A_80 = arith.constant 0 : index
      %swap3A_81 = vector.load %arg13[%swap3A_79, %swap3A_80] : memref<8x8xf32, #tpu.memory_space<vmem>>, vector<8x8xf32>
      tpu.vector_store %arg13[%swap3A_79, %swap3A_80], %add3A_78 {strides = array<i32>} : memref<8x8xf32, #tpu.memory_space<vmem>>, vector<8x8xf32>,
    } else {
    }
    %eq3A_61 = arith.constant 0 : i32
    %eq3A_62 = arith.cmpi eq, %arg0, %eq3A_61 : i32
    %convert_element_type3A_63 = arith.extui %eq3A_62 : i1 to i32
    %cond3A_64 = arith.constant 0 : i32
    %cond3A_65 = arith.cmpi ne, %convert_element_type3A_63, %cond3A_64 : i32
    scf.if %cond3A_65 {
      %swap3A_75 = arith.constant 0 : index
      %swap3A_76 = arith.constant 0 : index
      %swap3A_77 = vector.load %arg14[%swap3A_75, %swap3A_76] : memref<16x50000xf32, #tpu.memory_space<vmem>>, vector<16x50000xf32>
      tpu.vector_store %arg14[%swap3A_75, %swap3A_76], %dot_general3A_34 {strides = array<i32>} : memref<16x50000xf32, #tpu.memory_space<vmem>>, vector<16x50000xf32>,
      %broadcast_in_dim3A_78 = arith.constant 1.000000e+00 : f32
      %broadcast_in_dim3A_79 = vector.broadcast %broadcast_in_dim3A_78 : f32 to vector<16x50000xf32>
      %swap3A_80 = arith.constant 0 : index
      %swap3A_81 = arith.constant 0 : index
      %swap3A_82 = vector.load %arg15[%swap3A_80, %swap3A_81] : memref<16x50000xf32, #tpu.memory_space<vmem>>, vector<16x50000xf32>
      tpu.vector_store %arg15[%swap3A_80, %swap3A_81], %broadcast_in_dim3A_79 {strides = array<i32>} : memref<16x50000xf32, #tpu.memory_space<vmem>>, vector<16x50000xf32>,
      %swap3A_83 = arith.constant 0 : index
      %swap3A_84 = arith.constant 0 : index
      %swap3A_85 = vector.load %arg16[%swap3A_83, %swap3A_84] : memref<16x50000xf32, #tpu.memory_space<vmem>>, vector<16x50000xf32>
      tpu.vector_store %arg16[%swap3A_83, %swap3A_84], %concatenate3A_29 {strides = array<i32>} : memref<16x50000xf32, #tpu.memory_space<vmem>>, vector<16x50000xf32>,
    } else {
    }
    %gt3A = arith.constant 0 : i32
    %gt3A_66 = arith.cmpi sgt, %arg0, %gt3A : i32
    %convert_element_type3A_67 = arith.extui %gt3A_66 : i1 to i32
    %cond3A_68 = arith.constant 0 : i32
    %cond3A_69 = arith.cmpi ne, %convert_element_type3A_67, %cond3A_68 : i32
    scf.if %cond3A_69 {
      %get3A_75 = arith.constant 0 : index
      %get3A_76 = arith.constant 0 : index
      %get3A_77 = vector.load %arg14[%get3A_75, %get3A_76] : memref<16x50000xf32, #tpu.memory_space<vmem>>, vector<16x50000xf32>
      %max3A = arith.maximumf %get3A_77, %dot_general3A_34 : vector<16x50000xf32>
      %get3A_78 = arith.constant 0 : index
      %get3A_79 = arith.constant 0 : index
      %get3A_80 = vector.load %arg14[%get3A_78, %get3A_79] : memref<16x50000xf32, #tpu.memory_space<vmem>>, vector<16x50000xf32>
      %sub3A_81 = arith.subf %get3A_80, %max3A : vector<16x50000xf32>
      %exp3A = math.exp %sub3A_81 : vector<16x50000xf32>
      %sub3A_82 = arith.subf %dot_general3A_34, %max3A : vector<16x50000xf32>
      %exp3A_83 = math.exp %sub3A_82 : vector<16x50000xf32>
      %get3A_84 = arith.constant 0 : index
      %get3A_85 = arith.constant 0 : index
      %get3A_86 = vector.load %arg15[%get3A_84, %get3A_85] : memref<16x50000xf32, #tpu.memory_space<vmem>>, vector<16x50000xf32>
      %mul3A_87 = arith.mulf %get3A_86, %exp3A : vector<16x50000xf32>
      %add3A_88 = arith.addf %mul3A_87, %exp3A_83 : vector<16x50000xf32>
      %swap3A_89 = arith.constant 0 : index
      %swap3A_90 = arith.constant 0 : index
      %swap3A_91 = vector.load %arg15[%swap3A_89, %swap3A_90] : memref<16x50000xf32, #tpu.memory_space<vmem>>, vector<16x50000xf32>
      tpu.vector_store %arg15[%swap3A_89, %swap3A_90], %add3A_88 {strides = array<i32>} : memref<16x50000xf32, #tpu.memory_space<vmem>>, vector<16x50000xf32>,
      %get3A_92 = arith.constant 0 : index
      %get3A_93 = arith.constant 0 : index
      %get3A_94 = vector.load %arg16[%get3A_92, %get3A_93] : memref<16x50000xf32, #tpu.memory_space<vmem>>, vector<16x50000xf32>
      %mul3A_95 = arith.mulf %get3A_94, %exp3A : vector<16x50000xf32>
      %mul3A_96 = arith.mulf %concatenate3A_29, %exp3A_83 : vector<16x50000xf32>
      %add3A_97 = arith.addf %mul3A_95, %mul3A_96 : vector<16x50000xf32>
      %swap3A_98 = arith.constant 0 : index
      %swap3A_99 = arith.constant 0 : index
      %swap3A_100 = vector.load %arg16[%swap3A_98, %swap3A_99] : memref<16x50000xf32, #tpu.memory_space<vmem>>, vector<16x50000xf32>
      tpu.vector_store %arg16[%swap3A_98, %swap3A_99], %add3A_97 {strides = array<i32>} : memref<16x50000xf32, #tpu.memory_space<vmem>>, vector<16x50000xf32>,
      %swap3A_101 = arith.constant 0 : index
      %swap3A_102 = arith.constant 0 : index
      %swap3A_103 = vector.load %arg14[%swap3A_101, %swap3A_102] : memref<16x50000xf32, #tpu.memory_space<vmem>>, vector<16x50000xf32>
      tpu.vector_store %arg14[%swap3A_101, %swap3A_102], %max3A {strides = array<i32>} : memref<16x50000xf32, #tpu.memory_space<vmem>>, vector<16x50000xf32>,
    } else {
    }
    %eq3A_70 = arith.constant 15 : i32
    %eq3A_71 = arith.cmpi eq, %arg0, %eq3A_70 : i32
    %convert_element_type3A_72 = arith.extui %eq3A_71 : i1 to i32
    %cond3A_73 = arith.constant 0 : i32
    %cond3A_74 = arith.cmpi ne, %convert_element_type3A_72, %cond3A_73 : i32
    scf.if %cond3A_74 {
      %get3A_75 = arith.constant 0 : index
      %get3A_76 = arith.constant 0 : index
      %get3A_77 = vector.load %arg16[%get3A_75, %get3A_76] : memref<16x50000xf32, #tpu.memory_space<vmem>>, vector<16x50000xf32>
      %get3A_78 = arith.constant 0 : index
      %get3A_79 = arith.constant 0 : index
      %get3A_80 = vector.load %arg15[%get3A_78, %get3A_79] : memref<16x50000xf32, #tpu.memory_space<vmem>>, vector<16x50000xf32>
      %div3A = arith.divf %get3A_77, %get3A_80 : vector<16x50000xf32>
      %get3A_81 = arith.constant 0 : index
      %get3A_82 = arith.constant 0 : index
      %get3A_83 = vector.load %arg7[%get3A_81, %get3A_82] : memref<8x16xf32, #tpu.memory_space<vmem>>, vector<8x16xf32>
      %dot_general3A_84 = arith.constant dense<0.000000e+00> : vector<8x50000xf32>
      %dot_general3A_85 = tpu.matmul %get3A_83, %div3A, %dot_general3A_84 {dimension_numbers = #tpu.dot_dimension_numbers<[1], [0], [0], [1], [0, 0, 1, 1], [], []>, transpose_lhs_hint = false} : vector<8x16xf32>, vector<16x50000xf32>, vector<8x50000xf32> -> vector<8x50000xf32>
      %reduce_sum3A_86 = arith.constant dense<0.000000e+00> : vector<8xf32>
      %reduce_sum3A_87 = vector.multi_reduction <add>, %dot_general3A_85, %reduce_sum3A_86 [1] : vector<8x50000xf32> to vector<8xf32>
      %broadcast_in_dim3A_88 = vector.shape_cast %reduce_sum3A_87 : vector<8xf32> to vector<8x1xf32>
      %mul3A_89 = arith.mulf %dot_general3A_85, %dot_general3A_85 : vector<8x50000xf32>
      %reduce_sum3A_90 = arith.constant dense<0.000000e+00> : vector<8xf32>
      %reduce_sum3A_91 = vector.multi_reduction <add>, %mul3A_89, %reduce_sum3A_90 [1] : vector<8x50000xf32> to vector<8xf32>
      %broadcast_in_dim3A_92 = vector.shape_cast %reduce_sum3A_91 : vector<8xf32> to vector<8x1xf32>
      %broadcast_in_dim3A_93 = arith.constant 0.000000e+00 : f32
      %broadcast_in_dim3A_94 = vector.broadcast %broadcast_in_dim3A_93 : f32 to vector<8x6xf32>
      %concatenate3A_95 = tpu.concatenate %broadcast_in_dim3A_88, %broadcast_in_dim3A_92, %broadcast_in_dim3A_94 in 1 : vector<8x1xf32>, vector<8x1xf32>, vector<8x6xf32> -> vector<8x8xf32>
      %get3A_96 = arith.constant 0 : index
      %get3A_97 = arith.constant 0 : index
      %get3A_98 = vector.load %arg9[%get3A_96, %get3A_97] : memref<8x1xf32, #tpu.memory_space<vmem>>, vector<8x1xf32>
      %get3A_99 = arith.constant 0 : index
      %get3A_100 = arith.constant 0 : index
      %get3A_101 = vector.load %arg10[%get3A_99, %get3A_100] : memref<8x1xf32, #tpu.memory_space<vmem>>, vector<8x1xf32>
      %slice3A_102 = vector.extract_strided_slice %concatenate3A_95 {offsets = [0, 0], sizes = [8, 1], strides = [1, 1]} : vector<8x8xf32> to vector<8x1xf32>
      %div3A_103 = arith.constant 5.000000e+04 : f32
      %div3A_104 = vector.broadcast %div3A_103 : f32 to vector<8x1xf32>
      %div3A_105 = arith.divf %slice3A_102, %div3A_104 : vector<8x1xf32>
      %slice3A_106 = vector.extract_strided_slice %concatenate3A_95 {offsets = [0, 1], sizes = [8, 1], strides = [1, 1]} : vector<8x8xf32> to vector<8x1xf32>
      %div3A_107 = arith.constant 5.000000e+04 : f32
      %div3A_108 = vector.broadcast %div3A_107 : f32 to vector<8x1xf32>
      %div3A_109 = arith.divf %slice3A_106, %div3A_108 : vector<8x1xf32>
      %mul3A_110 = arith.mulf %div3A_105, %div3A_105 : vector<8x1xf32>
      %sub3A_111 = arith.subf %div3A_109, %mul3A_110 : vector<8x1xf32>
      %add3A_112 = arith.constant 9.99999997E-7 : f32
      %add3A_113 = vector.broadcast %add3A_112 : f32 to vector<8x1xf32>
      %add3A_114 = arith.addf %sub3A_111, %add3A_113 : vector<8x1xf32>
      %sqrt3A_115 = math.sqrt %add3A_114 : vector<8x1xf32>
      %div3A_116 = arith.divf %get3A_98, %sqrt3A_115 : vector<8x1xf32>
      %mul3A_117 = arith.mulf %div3A_116, %div3A_105 : vector<8x1xf32>
      %sub3A_118 = arith.subf %get3A_101, %mul3A_117 : vector<8x1xf32>
      %mul3A_119 = vector.broadcast %div3A_116 : vector<8x1xf32> to vector<8x50000xf32>
      %mul3A_120 = arith.mulf %mul3A_119, %dot_general3A_85 : vector<8x50000xf32>
      %add3A_121 = vector.broadcast %sub3A_118 : vector<8x1xf32> to vector<8x50000xf32>
      %add3A_122 = arith.addf %mul3A_120, %add3A_121 : vector<8x50000xf32>
      %ge3A_123 = arith.constant 0.000000e+00 : f32
      %ge3A_124 = vector.broadcast %ge3A_123 : f32 to vector<8x50000xf32>
      %ge3A_125 = arith.cmpf oge, %add3A_122, %ge3A_124 : vector<8x50000xf32>
      %mul3A_126 = arith.constant 2.000000e-01 : f32
      %mul3A_127 = vector.broadcast %mul3A_126 : f32 to vector<8x50000xf32>
      %mul3A_128 = arith.mulf %mul3A_127, %add3A_122 : vector<8x50000xf32>
      %select_n3A_129 = arith.select %ge3A_125, %add3A_122, %mul3A_128 : vector<8x50000xi1>, vector<8x50000xf32>
      %swap3A_130 = arith.constant 0 : index
      %swap3A_131 = arith.constant 0 : index
      %swap3A_132 = vector.load %arg11[%swap3A_130, %swap3A_131] : memref<8x50000xf32, #tpu.memory_space<vmem>>, vector<8x50000xf32>
      tpu.vector_store %arg11[%swap3A_130, %swap3A_131], %select_n3A_129 {strides = array<i32>} : memref<8x50000xf32, #tpu.memory_space<vmem>>, vector<8x50000xf32>,
    } else {
    }
    return
  }
  func.func @transform_0(%arg0: i32) -> (i32, i32, i32) {
    %c0_i32 = arith.constant 0 : i32
    %c0_i32_0 = arith.constant 0 : i32
    %c0_i32_1 = arith.constant 0 : i32
    return %arg0, %c0_i32, %c0_i32_0 : i32, i32, i32
  }
  func.func @transform_1(%arg0: i32) -> (i32, i32) {
    %c0_i32 = arith.constant 0 : i32
    %c0_i32_0 = arith.constant 0 : i32
    %c0_i32_1 = arith.constant 0 : i32
    return %c0_i32, %c0_i32_0 : i32, i32
  }
  func.func @transform_2(%arg0: i32) -> (i32, i32) {
    %c0_i32 = arith.constant 0 : i32
    %c0_i32_0 = arith.constant 0 : i32
    %c0_i32_1 = arith.constant 0 : i32
    return %c0_i32, %c0_i32_0 : i32, i32
  }
  func.func @transform_3(%arg0: i32) -> (i32, i32) {
    %c0_i32 = arith.constant 0 : i32
    %c0_i32_0 = arith.constant 0 : i32
    %c0_i32_1 = arith.constant 0 : i32
    return %c0_i32, %c0_i32_0 : i32, i32
  }
  func.func @transform_4(%arg0: i32) -> (i32, i32) {
    %c0_i32 = arith.constant 0 : i32
    %c0_i32_0 = arith.constant 0 : i32
    %c0_i32_1 = arith.constant 0 : i32
    return %c0_i32, %c0_i32_0 : i32, i32
  }
  func.func @transform_5(%arg0: i32) -> (i32, i32) {
    %c0_i32 = arith.constant 0 : i32
    %c0_i32_0 = arith.constant 0 : i32
    %c0_i32_1 = arith.constant 0 : i32
    return %c0_i32, %c0_i32_0 : i32, i32
  }
  func.func @transform_6(%arg0: i32) -> (i32, i32) {
    %c0_i32 = arith.constant 0 : i32
    %c0_i32_0 = arith.constant 0 : i32
    %c0_i32_1 = arith.constant 0 : i32
    return %c0_i32, %c0_i32_0 : i32, i32
  }
  func.func @transform_7(%arg0: i32) -> (i32, i32) {
    %c0_i32 = arith.constant 0 : i32
    %c0_i32_0 = arith.constant 0 : i32
    %c0_i32_1 = arith.constant 0 : i32
    return %c0_i32, %c0_i32_0 : i32, i32
  }
  func.func @transform_8(%arg0: i32) -> (i32, i32) {
    %c0_i32 = arith.constant 0 : i32
    %c0_i32_0 = arith.constant 0 : i32
    %c0_i32_1 = arith.constant 0 : i32
    return %c0_i32, %c0_i32_0 : i32, i32
  }
  func.func @transform_9(%arg0: i32) -> (i32, i32) {
    %c0_i32 = arith.constant 0 : i32
    %c0_i32_0 = arith.constant 0 : i32
    %c0_i32_1 = arith.constant 0 : i32
    return %c0_i32, %c0_i32_0 : i32, i32
  }
  func.func @transform_10(%arg0: i32) -> (i32, i32) {
    %c0_i32 = arith.constant 0 : i32
    %c0_i32_0 = arith.constant 0 : i32
    %c0_i32_1 = arith.constant 0 : i32
    return %c0_i32, %c0_i32_0 : i32, i32
  }
  func.func @transform_11(%arg0: i32) -> (i32, i32, i32) {
    %c0_i32 = arith.constant 0 : i32
    %c0_i32_0 = arith.constant 0 : i32
    %c0_i32_1 = arith.constant 0 : i32
    return %arg0, %c0_i32, %c0_i32_0 : i32, i32, i32
  }
  func.func @transform_12(%arg0: i32) -> (i32, i32) {
    %c0_i32 = arith.constant 0 : i32
    %c0_i32_0 = arith.constant 0 : i32
    %c0_i32_1 = arith.constant 0 : i32
    return %c0_i32, %c0_i32_0 : i32, i32
  }
}

module attributes {stable_mosaic.version = 14 : i64} {
  func.func @_k6_body(%arg0: i32, %arg1: memref<1x8x50000xf32, #tpu.memory_space<vmem>>, %arg2: memref<1x8x50000xf32, #tpu.memory_space<vmem>>, %arg3: memref<8x1xf32, #tpu.memory_space<vmem>>, %arg4: memref<8x1xf32, #tpu.memory_space<vmem>>, %arg5: memref<16x16xf32, #tpu.memory_space<vmem>>, %arg6: memref<16x16xf32, #tpu.memory_space<vmem>>, %arg7: memref<16x1xf32, #tpu.memory_space<vmem>>, %arg8: memref<16x1xf32, #tpu.memory_space<vmem>>, %arg9: memref<32x16xf32, #tpu.memory_space<vmem>>, %arg10: memref<32x1xf32, #tpu.memory_space<vmem>>, %arg11: memref<32x1xf32, #tpu.memory_space<vmem>>, %arg12: memref<8x50000xf32, #tpu.memory_space<vmem>>, %arg13: memref<32x8xf32, #tpu.memory_space<vmem>>, %arg14: memref<32x1xf32, #tpu.memory_space<vmem>>, %arg15: memref<32x1xf32, #tpu.memory_space<vmem>>, %arg16: memref<32x50000xf32, #tpu.memory_space<vmem>>, %arg17: memref<16x50000xf32, #tpu.memory_space<vmem>>, %arg18: memref<16x50000xf32, #tpu.memory_space<vmem>>, %arg19: memref<16x50000xf32, #tpu.memory_space<vmem>>) attributes {dimension_semantics = [#tpu.dimension_semantics<arbitrary>], iteration_bounds = array<i64: 16>, scalar_prefetch = 0 : i64, scratch_operands = 3 : i64, tpu.core_type = #tpu.core_type<tc>, window_params = [{transform_indices = @transform_0, window_bounds = array<i64: 1, 8, 50000>}, {transform_indices = @transform_1, window_bounds = array<i64: 1, 8, 50000>}, {pipeline_mode = #tpu.pipeline_mode<synchronous>, transform_indices = @transform_2, window_bounds = array<i64: 8, 1>}, {pipeline_mode = #tpu.pipeline_mode<synchronous>, transform_indices = @transform_3, window_bounds = array<i64: 8, 1>}, {pipeline_mode = #tpu.pipeline_mode<synchronous>, transform_indices = @transform_4, window_bounds = array<i64: 16, 16>}, {pipeline_mode = #tpu.pipeline_mode<synchronous>, transform_indices = @transform_5, window_bounds = array<i64: 16, 16>}, {pipeline_mode = #tpu.pipeline_mode<synchronous>, transform_indices = @transform_6, window_bounds = array<i64: 16, 1>}, {pipeline_mode = #tpu.pipeline_mode<synchronous>, transform_indices = @transform_7, window_bounds = array<i64: 16, 1>}, {pipeline_mode = #tpu.pipeline_mode<synchronous>, transform_indices = @transform_8, window_bounds = array<i64: 32, 16>}, {pipeline_mode = #tpu.pipeline_mode<synchronous>, transform_indices = @transform_9, window_bounds = array<i64: 32, 1>}, {pipeline_mode = #tpu.pipeline_mode<synchronous>, transform_indices = @transform_10, window_bounds = array<i64: 32, 1>}, {pipeline_mode = #tpu.pipeline_mode<synchronous>, transform_indices = @transform_11, window_bounds = array<i64: 8, 50000>}, {pipeline_mode = #tpu.pipeline_mode<synchronous>, transform_indices = @transform_12, window_bounds = array<i64: 32, 8>}, {pipeline_mode = #tpu.pipeline_mode<synchronous>, transform_indices = @transform_13, window_bounds = array<i64: 32, 1>}, {pipeline_mode = #tpu.pipeline_mode<synchronous>, transform_indices = @transform_14, window_bounds = array<i64: 32, 1>}, {pipeline_mode = #tpu.pipeline_mode<synchronous>, transform_indices = @transform_15, window_bounds = array<i64: 32, 50000>}]} {
    %get3A = arith.constant 0 : index
    %get3A_0 = arith.constant 0 : index
    %get3A_1 = vector.load %arg3[%get3A, %get3A_0] : memref<8x1xf32, #tpu.memory_space<vmem>>, vector<8x1xf32>
    %get3A_2 = arith.constant 0 : index
    %get3A_3 = arith.constant 0 : index
    %get3A_4 = arith.constant 0 : index
    %get3A_5 = vector.load %arg2[%get3A_2, %get3A_3, %get3A_4] : memref<1x8x50000xf32, #tpu.memory_space<vmem>>, vector<1x8x50000xf32>
    %get3A_6 = vector.shape_cast %get3A_5 : vector<1x8x50000xf32> to vector<8x50000xf32>
    %mul3A = vector.broadcast %get3A_1 : vector<8x1xf32> to vector<8x50000xf32>
    %mul3A_7 = arith.mulf %mul3A, %get3A_6 : vector<8x50000xf32>
    %get3A_8 = arith.constant 0 : index
    %get3A_9 = arith.constant 0 : index
    %get3A_10 = vector.load %arg4[%get3A_8, %get3A_9] : memref<8x1xf32, #tpu.memory_space<vmem>>, vector<8x1xf32>
    %add3A = vector.broadcast %get3A_10 : vector<8x1xf32> to vector<8x50000xf32>
    %add3A_11 = arith.addf %mul3A_7, %add3A : vector<8x50000xf32>
    %ge3A = arith.constant 0.000000e+00 : f32
    %ge3A_12 = vector.broadcast %ge3A : f32 to vector<8x50000xf32>
    %ge3A_13 = arith.cmpf oge, %add3A_11, %ge3A_12 : vector<8x50000xf32>
    %mul3A_14 = arith.constant 2.000000e-01 : f32
    %mul3A_15 = vector.broadcast %mul3A_14 : f32 to vector<8x50000xf32>
    %mul3A_16 = arith.mulf %mul3A_15, %add3A_11 : vector<8x50000xf32>
    %select_n3A = arith.select %ge3A_13, %add3A_11, %mul3A_16 : vector<8x50000xi1>, vector<8x50000xf32>
    %get3A_17 = arith.constant 0 : index
    %get3A_18 = arith.constant 0 : index
    %get3A_19 = arith.constant 0 : index
    %get3A_20 = vector.load %arg1[%get3A_17, %get3A_18, %get3A_19] : memref<1x8x50000xf32, #tpu.memory_space<vmem>>, vector<1x8x50000xf32>
    %get3A_21 = vector.shape_cast %get3A_20 : vector<1x8x50000xf32> to vector<8x50000xf32>
    %concatenate3A = tpu.concatenate %get3A_21, %select_n3A in 0 : vector<8x50000xf32>, vector<8x50000xf32> -> vector<16x50000xf32>
    %get3A_22 = arith.constant 0 : index
    %get3A_23 = arith.constant 0 : index
    %get3A_24 = vector.load %arg5[%get3A_22, %get3A_23] : memref<16x16xf32, #tpu.memory_space<vmem>>, vector<16x16xf32>
    %dot_general3A = arith.constant dense<0.000000e+00> : vector<16x50000xf32>
    %dot_general3A_25 = tpu.matmul %get3A_24, %concatenate3A, %dot_general3A {dimension_numbers = #tpu.dot_dimension_numbers<[1], [0], [0], [1], [0, 0, 1, 1], [], []>, transpose_lhs_hint = false} : vector<16x16xf32>, vector<16x50000xf32>, vector<16x50000xf32> -> vector<16x50000xf32>
    %eq3A = arith.constant 0 : i32
    %eq3A_26 = arith.cmpi eq, %arg0, %eq3A : i32
    %convert_element_type3A = arith.extui %eq3A_26 : i1 to i32
    %cond3A = arith.constant 0 : i32
    %cond3A_27 = arith.cmpi ne, %convert_element_type3A, %cond3A : i32
    scf.if %cond3A_27 {
      %swap3A = arith.constant 0 : index
      %swap3A_37 = arith.constant 0 : index
      %swap3A_38 = vector.load %arg17[%swap3A, %swap3A_37] : memref<16x50000xf32, #tpu.memory_space<vmem>>, vector<16x50000xf32>
      tpu.vector_store %arg17[%swap3A, %swap3A_37], %dot_general3A_25 {strides = array<i32>} : memref<16x50000xf32, #tpu.memory_space<vmem>>, vector<16x50000xf32>,
      %broadcast_in_dim3A = arith.constant 1.000000e+00 : f32
      %broadcast_in_dim3A_39 = vector.broadcast %broadcast_in_dim3A : f32 to vector<16x50000xf32>
      %swap3A_40 = arith.constant 0 : index
      %swap3A_41 = arith.constant 0 : index
      %swap3A_42 = vector.load %arg18[%swap3A_40, %swap3A_41] : memref<16x50000xf32, #tpu.memory_space<vmem>>, vector<16x50000xf32>
      tpu.vector_store %arg18[%swap3A_40, %swap3A_41], %broadcast_in_dim3A_39 {strides = array<i32>} : memref<16x50000xf32, #tpu.memory_space<vmem>>, vector<16x50000xf32>,
      %swap3A_43 = arith.constant 0 : index
      %swap3A_44 = arith.constant 0 : index
      %swap3A_45 = vector.load %arg19[%swap3A_43, %swap3A_44] : memref<16x50000xf32, #tpu.memory_space<vmem>>, vector<16x50000xf32>
      tpu.vector_store %arg19[%swap3A_43, %swap3A_44], %concatenate3A {strides = array<i32>} : memref<16x50000xf32, #tpu.memory_space<vmem>>, vector<16x50000xf32>,
    } else {
    }
    %gt3A = arith.constant 0 : i32
    %gt3A_28 = arith.cmpi sgt, %arg0, %gt3A : i32
    %convert_element_type3A_29 = arith.extui %gt3A_28 : i1 to i32
    %cond3A_30 = arith.constant 0 : i32
    %cond3A_31 = arith.cmpi ne, %convert_element_type3A_29, %cond3A_30 : i32
    scf.if %cond3A_31 {
      %get3A_37 = arith.constant 0 : index
      %get3A_38 = arith.constant 0 : index
      %get3A_39 = vector.load %arg17[%get3A_37, %get3A_38] : memref<16x50000xf32, #tpu.memory_space<vmem>>, vector<16x50000xf32>
      %max3A = arith.maximumf %get3A_39, %dot_general3A_25 : vector<16x50000xf32>
      %get3A_40 = arith.constant 0 : index
      %get3A_41 = arith.constant 0 : index
      %get3A_42 = vector.load %arg17[%get3A_40, %get3A_41] : memref<16x50000xf32, #tpu.memory_space<vmem>>, vector<16x50000xf32>
      %sub3A = arith.subf %get3A_42, %max3A : vector<16x50000xf32>
      %exp3A = math.exp %sub3A : vector<16x50000xf32>
      %sub3A_43 = arith.subf %dot_general3A_25, %max3A : vector<16x50000xf32>
      %exp3A_44 = math.exp %sub3A_43 : vector<16x50000xf32>
      %get3A_45 = arith.constant 0 : index
      %get3A_46 = arith.constant 0 : index
      %get3A_47 = vector.load %arg18[%get3A_45, %get3A_46] : memref<16x50000xf32, #tpu.memory_space<vmem>>, vector<16x50000xf32>
      %mul3A_48 = arith.mulf %get3A_47, %exp3A : vector<16x50000xf32>
      %add3A_49 = arith.addf %mul3A_48, %exp3A_44 : vector<16x50000xf32>
      %swap3A = arith.constant 0 : index
      %swap3A_50 = arith.constant 0 : index
      %swap3A_51 = vector.load %arg18[%swap3A, %swap3A_50] : memref<16x50000xf32, #tpu.memory_space<vmem>>, vector<16x50000xf32>
      tpu.vector_store %arg18[%swap3A, %swap3A_50], %add3A_49 {strides = array<i32>} : memref<16x50000xf32, #tpu.memory_space<vmem>>, vector<16x50000xf32>,
      %get3A_52 = arith.constant 0 : index
      %get3A_53 = arith.constant 0 : index
      %get3A_54 = vector.load %arg19[%get3A_52, %get3A_53] : memref<16x50000xf32, #tpu.memory_space<vmem>>, vector<16x50000xf32>
      %mul3A_55 = arith.mulf %get3A_54, %exp3A : vector<16x50000xf32>
      %mul3A_56 = arith.mulf %concatenate3A, %exp3A_44 : vector<16x50000xf32>
      %add3A_57 = arith.addf %mul3A_55, %mul3A_56 : vector<16x50000xf32>
      %swap3A_58 = arith.constant 0 : index
      %swap3A_59 = arith.constant 0 : index
      %swap3A_60 = vector.load %arg19[%swap3A_58, %swap3A_59] : memref<16x50000xf32, #tpu.memory_space<vmem>>, vector<16x50000xf32>
      tpu.vector_store %arg19[%swap3A_58, %swap3A_59], %add3A_57 {strides = array<i32>} : memref<16x50000xf32, #tpu.memory_space<vmem>>, vector<16x50000xf32>,
      %swap3A_61 = arith.constant 0 : index
      %swap3A_62 = arith.constant 0 : index
      %swap3A_63 = vector.load %arg17[%swap3A_61, %swap3A_62] : memref<16x50000xf32, #tpu.memory_space<vmem>>, vector<16x50000xf32>
      tpu.vector_store %arg17[%swap3A_61, %swap3A_62], %max3A {strides = array<i32>} : memref<16x50000xf32, #tpu.memory_space<vmem>>, vector<16x50000xf32>,
    } else {
    }
    %eq3A_32 = arith.constant 15 : i32
    %eq3A_33 = arith.cmpi eq, %arg0, %eq3A_32 : i32
    %convert_element_type3A_34 = arith.extui %eq3A_33 : i1 to i32
    %cond3A_35 = arith.constant 0 : i32
    %cond3A_36 = arith.cmpi ne, %convert_element_type3A_34, %cond3A_35 : i32
    scf.if %cond3A_36 {
      %get3A_37 = arith.constant 0 : index
      %get3A_38 = arith.constant 0 : index
      %get3A_39 = vector.load %arg19[%get3A_37, %get3A_38] : memref<16x50000xf32, #tpu.memory_space<vmem>>, vector<16x50000xf32>
      %get3A_40 = arith.constant 0 : index
      %get3A_41 = arith.constant 0 : index
      %get3A_42 = vector.load %arg18[%get3A_40, %get3A_41] : memref<16x50000xf32, #tpu.memory_space<vmem>>, vector<16x50000xf32>
      %div3A = arith.divf %get3A_39, %get3A_42 : vector<16x50000xf32>
      %get3A_43 = arith.constant 0 : index
      %get3A_44 = arith.constant 0 : index
      %get3A_45 = vector.load %arg6[%get3A_43, %get3A_44] : memref<16x16xf32, #tpu.memory_space<vmem>>, vector<16x16xf32>
      %dot_general3A_46 = arith.constant dense<0.000000e+00> : vector<16x50000xf32>
      %dot_general3A_47 = tpu.matmul %get3A_45, %div3A, %dot_general3A_46 {dimension_numbers = #tpu.dot_dimension_numbers<[1], [0], [0], [1], [0, 0, 1, 1], [], []>, transpose_lhs_hint = false} : vector<16x16xf32>, vector<16x50000xf32>, vector<16x50000xf32> -> vector<16x50000xf32>
      %reduce_sum3A = arith.constant dense<0.000000e+00> : vector<16xf32>
      %reduce_sum3A_48 = vector.multi_reduction <add>, %dot_general3A_47, %reduce_sum3A [1] : vector<16x50000xf32> to vector<16xf32>
      %broadcast_in_dim3A = vector.shape_cast %reduce_sum3A_48 : vector<16xf32> to vector<16x1xf32>
      %mul3A_49 = arith.mulf %dot_general3A_47, %dot_general3A_47 : vector<16x50000xf32>
      %reduce_sum3A_50 = arith.constant dense<0.000000e+00> : vector<16xf32>
      %reduce_sum3A_51 = vector.multi_reduction <add>, %mul3A_49, %reduce_sum3A_50 [1] : vector<16x50000xf32> to vector<16xf32>
      %broadcast_in_dim3A_52 = vector.shape_cast %reduce_sum3A_51 : vector<16xf32> to vector<16x1xf32>
      %broadcast_in_dim3A_53 = arith.constant 0.000000e+00 : f32
      %broadcast_in_dim3A_54 = vector.broadcast %broadcast_in_dim3A_53 : f32 to vector<16x6xf32>
      %concatenate3A_55 = tpu.concatenate %broadcast_in_dim3A, %broadcast_in_dim3A_52, %broadcast_in_dim3A_54 in 1 : vector<16x1xf32>, vector<16x1xf32>, vector<16x6xf32> -> vector<16x8xf32>
      %get3A_56 = arith.constant 0 : index
      %get3A_57 = arith.constant 0 : index
      %get3A_58 = vector.load %arg7[%get3A_56, %get3A_57] : memref<16x1xf32, #tpu.memory_space<vmem>>, vector<16x1xf32>
      %get3A_59 = arith.constant 0 : index
      %get3A_60 = arith.constant 0 : index
      %get3A_61 = vector.load %arg8[%get3A_59, %get3A_60] : memref<16x1xf32, #tpu.memory_space<vmem>>, vector<16x1xf32>
      %slice3A = vector.extract_strided_slice %concatenate3A_55 {offsets = [0, 0], sizes = [16, 1], strides = [1, 1]} : vector<16x8xf32> to vector<16x1xf32>
      %div3A_62 = arith.constant 5.000000e+04 : f32
      %div3A_63 = vector.broadcast %div3A_62 : f32 to vector<16x1xf32>
      %div3A_64 = arith.divf %slice3A, %div3A_63 : vector<16x1xf32>
      %slice3A_65 = vector.extract_strided_slice %concatenate3A_55 {offsets = [0, 1], sizes = [16, 1], strides = [1, 1]} : vector<16x8xf32> to vector<16x1xf32>
      %div3A_66 = arith.constant 5.000000e+04 : f32
      %div3A_67 = vector.broadcast %div3A_66 : f32 to vector<16x1xf32>
      %div3A_68 = arith.divf %slice3A_65, %div3A_67 : vector<16x1xf32>
      %mul3A_69 = arith.mulf %div3A_64, %div3A_64 : vector<16x1xf32>
      %sub3A = arith.subf %div3A_68, %mul3A_69 : vector<16x1xf32>
      %add3A_70 = arith.constant 9.99999997E-7 : f32
      %add3A_71 = vector.broadcast %add3A_70 : f32 to vector<16x1xf32>
      %add3A_72 = arith.addf %sub3A, %add3A_71 : vector<16x1xf32>
      %sqrt3A = math.sqrt %add3A_72 : vector<16x1xf32>
      %div3A_73 = arith.divf %get3A_58, %sqrt3A : vector<16x1xf32>
      %mul3A_74 = arith.mulf %div3A_73, %div3A_64 : vector<16x1xf32>
      %sub3A_75 = arith.subf %get3A_61, %mul3A_74 : vector<16x1xf32>
      %mul3A_76 = vector.broadcast %div3A_73 : vector<16x1xf32> to vector<16x50000xf32>
      %mul3A_77 = arith.mulf %mul3A_76, %dot_general3A_47 : vector<16x50000xf32>
      %add3A_78 = vector.broadcast %sub3A_75 : vector<16x1xf32> to vector<16x50000xf32>
      %add3A_79 = arith.addf %mul3A_77, %add3A_78 : vector<16x50000xf32>
      %ge3A_80 = arith.constant 0.000000e+00 : f32
      %ge3A_81 = vector.broadcast %ge3A_80 : f32 to vector<16x50000xf32>
      %ge3A_82 = arith.cmpf oge, %add3A_79, %ge3A_81 : vector<16x50000xf32>
      %mul3A_83 = arith.constant 2.000000e-01 : f32
      %mul3A_84 = vector.broadcast %mul3A_83 : f32 to vector<16x50000xf32>
      %mul3A_85 = arith.mulf %mul3A_84, %add3A_79 : vector<16x50000xf32>
      %select_n3A_86 = arith.select %ge3A_82, %add3A_79, %mul3A_85 : vector<16x50000xi1>, vector<16x50000xf32>
      %get3A_87 = arith.constant 0 : index
      %get3A_88 = arith.constant 0 : index
      %get3A_89 = vector.load %arg9[%get3A_87, %get3A_88] : memref<32x16xf32, #tpu.memory_space<vmem>>, vector<32x16xf32>
      %dot_general3A_90 = arith.constant dense<0.000000e+00> : vector<32x50000xf32>
      %dot_general3A_91 = tpu.matmul %get3A_89, %select_n3A_86, %dot_general3A_90 {dimension_numbers = #tpu.dot_dimension_numbers<[1], [0], [0], [1], [0, 0, 1, 1], [], []>, transpose_lhs_hint = false} : vector<32x16xf32>, vector<16x50000xf32>, vector<32x50000xf32> -> vector<32x50000xf32>
      %reduce_sum3A_92 = arith.constant dense<0.000000e+00> : vector<32xf32>
      %reduce_sum3A_93 = vector.multi_reduction <add>, %dot_general3A_91, %reduce_sum3A_92 [1] : vector<32x50000xf32> to vector<32xf32>
      %broadcast_in_dim3A_94 = vector.shape_cast %reduce_sum3A_93 : vector<32xf32> to vector<32x1xf32>
      %mul3A_95 = arith.mulf %dot_general3A_91, %dot_general3A_91 : vector<32x50000xf32>
      %reduce_sum3A_96 = arith.constant dense<0.000000e+00> : vector<32xf32>
      %reduce_sum3A_97 = vector.multi_reduction <add>, %mul3A_95, %reduce_sum3A_96 [1] : vector<32x50000xf32> to vector<32xf32>
      %broadcast_in_dim3A_98 = vector.shape_cast %reduce_sum3A_97 : vector<32xf32> to vector<32x1xf32>
      %broadcast_in_dim3A_99 = arith.constant 0.000000e+00 : f32
      %broadcast_in_dim3A_100 = vector.broadcast %broadcast_in_dim3A_99 : f32 to vector<32x6xf32>
      %concatenate3A_101 = tpu.concatenate %broadcast_in_dim3A_94, %broadcast_in_dim3A_98, %broadcast_in_dim3A_100 in 1 : vector<32x1xf32>, vector<32x1xf32>, vector<32x6xf32> -> vector<32x8xf32>
      %get3A_102 = arith.constant 0 : index
      %get3A_103 = arith.constant 0 : index
      %get3A_104 = vector.load %arg10[%get3A_102, %get3A_103] : memref<32x1xf32, #tpu.memory_space<vmem>>, vector<32x1xf32>
      %get3A_105 = arith.constant 0 : index
      %get3A_106 = arith.constant 0 : index
      %get3A_107 = vector.load %arg11[%get3A_105, %get3A_106] : memref<32x1xf32, #tpu.memory_space<vmem>>, vector<32x1xf32>
      %slice3A_108 = vector.extract_strided_slice %concatenate3A_101 {offsets = [0, 0], sizes = [32, 1], strides = [1, 1]} : vector<32x8xf32> to vector<32x1xf32>
      %div3A_109 = arith.constant 5.000000e+04 : f32
      %div3A_110 = vector.broadcast %div3A_109 : f32 to vector<32x1xf32>
      %div3A_111 = arith.divf %slice3A_108, %div3A_110 : vector<32x1xf32>
      %slice3A_112 = vector.extract_strided_slice %concatenate3A_101 {offsets = [0, 1], sizes = [32, 1], strides = [1, 1]} : vector<32x8xf32> to vector<32x1xf32>
      %div3A_113 = arith.constant 5.000000e+04 : f32
      %div3A_114 = vector.broadcast %div3A_113 : f32 to vector<32x1xf32>
      %div3A_115 = arith.divf %slice3A_112, %div3A_114 : vector<32x1xf32>
      %mul3A_116 = arith.mulf %div3A_111, %div3A_111 : vector<32x1xf32>
      %sub3A_117 = arith.subf %div3A_115, %mul3A_116 : vector<32x1xf32>
      %add3A_118 = arith.constant 9.99999997E-7 : f32
      %add3A_119 = vector.broadcast %add3A_118 : f32 to vector<32x1xf32>
      %add3A_120 = arith.addf %sub3A_117, %add3A_119 : vector<32x1xf32>
      %sqrt3A_121 = math.sqrt %add3A_120 : vector<32x1xf32>
      %div3A_122 = arith.divf %get3A_104, %sqrt3A_121 : vector<32x1xf32>
      %mul3A_123 = arith.mulf %div3A_122, %div3A_111 : vector<32x1xf32>
      %sub3A_124 = arith.subf %get3A_107, %mul3A_123 : vector<32x1xf32>
      %get3A_125 = arith.constant 0 : index
      %get3A_126 = arith.constant 0 : index
      %get3A_127 = vector.load %arg13[%get3A_125, %get3A_126] : memref<32x8xf32, #tpu.memory_space<vmem>>, vector<32x8xf32>
      %get3A_128 = arith.constant 0 : index
      %get3A_129 = arith.constant 0 : index
      %get3A_130 = vector.load %arg12[%get3A_128, %get3A_129] : memref<8x50000xf32, #tpu.memory_space<vmem>>, vector<8x50000xf32>
      %dot_general3A_131 = arith.constant dense<0.000000e+00> : vector<32x50000xf32>
      %dot_general3A_132 = tpu.matmul %get3A_127, %get3A_130, %dot_general3A_131 {dimension_numbers = #tpu.dot_dimension_numbers<[1], [0], [0], [1], [0, 0, 1, 1], [], []>, transpose_lhs_hint = false} : vector<32x8xf32>, vector<8x50000xf32>, vector<32x50000xf32> -> vector<32x50000xf32>
      %mul3A_133 = vector.broadcast %div3A_122 : vector<32x1xf32> to vector<32x50000xf32>
      %mul3A_134 = arith.mulf %mul3A_133, %dot_general3A_91 : vector<32x50000xf32>
      %add3A_135 = vector.broadcast %sub3A_124 : vector<32x1xf32> to vector<32x50000xf32>
      %add3A_136 = arith.addf %mul3A_134, %add3A_135 : vector<32x50000xf32>
      %get3A_137 = arith.constant 0 : index
      %get3A_138 = arith.constant 0 : index
      %get3A_139 = vector.load %arg14[%get3A_137, %get3A_138] : memref<32x1xf32, #tpu.memory_space<vmem>>, vector<32x1xf32>
      %mul3A_140 = vector.broadcast %get3A_139 : vector<32x1xf32> to vector<32x50000xf32>
      %mul3A_141 = arith.mulf %mul3A_140, %dot_general3A_132 : vector<32x50000xf32>
      %add3A_142 = arith.addf %add3A_136, %mul3A_141 : vector<32x50000xf32>
      %get3A_143 = arith.constant 0 : index
      %get3A_144 = arith.constant 0 : index
      %get3A_145 = vector.load %arg15[%get3A_143, %get3A_144] : memref<32x1xf32, #tpu.memory_space<vmem>>, vector<32x1xf32>
      %add3A_146 = vector.broadcast %get3A_145 : vector<32x1xf32> to vector<32x50000xf32>
      %add3A_147 = arith.addf %add3A_142, %add3A_146 : vector<32x50000xf32>
      %ge3A_148 = arith.constant 0.000000e+00 : f32
      %ge3A_149 = vector.broadcast %ge3A_148 : f32 to vector<32x50000xf32>
      %ge3A_150 = arith.cmpf oge, %add3A_147, %ge3A_149 : vector<32x50000xf32>
      %mul3A_151 = arith.constant 0.00999999977 : f32
      %mul3A_152 = vector.broadcast %mul3A_151 : f32 to vector<32x50000xf32>
      %mul3A_153 = arith.mulf %mul3A_152, %add3A_147 : vector<32x50000xf32>
      %select_n3A_154 = arith.select %ge3A_150, %add3A_147, %mul3A_153 : vector<32x50000xi1>, vector<32x50000xf32>
      %swap3A = arith.constant 0 : index
      %swap3A_155 = arith.constant 0 : index
      %swap3A_156 = vector.load %arg16[%swap3A, %swap3A_155] : memref<32x50000xf32, #tpu.memory_space<vmem>>, vector<32x50000xf32>
      tpu.vector_store %arg16[%swap3A, %swap3A_155], %select_n3A_154 {strides = array<i32>} : memref<32x50000xf32, #tpu.memory_space<vmem>>, vector<32x50000xf32>,
    } else {
    }
    return
  }
  func.func @transform_0(%arg0: i32) -> (i32, i32, i32) {
    %c0_i32 = arith.constant 0 : i32
    %c0_i32_0 = arith.constant 0 : i32
    %c0_i32_1 = arith.constant 0 : i32
    return %arg0, %c0_i32, %c0_i32_0 : i32, i32, i32
  }
  func.func @transform_1(%arg0: i32) -> (i32, i32, i32) {
    %c0_i32 = arith.constant 0 : i32
    %c0_i32_0 = arith.constant 0 : i32
    %c0_i32_1 = arith.constant 0 : i32
    return %arg0, %c0_i32, %c0_i32_0 : i32, i32, i32
  }
  func.func @transform_2(%arg0: i32) -> (i32, i32) {
    %c0_i32 = arith.constant 0 : i32
    %c0_i32_0 = arith.constant 0 : i32
    %c0_i32_1 = arith.constant 0 : i32
    return %c0_i32, %c0_i32_0 : i32, i32
  }
  func.func @transform_3(%arg0: i32) -> (i32, i32) {
    %c0_i32 = arith.constant 0 : i32
    %c0_i32_0 = arith.constant 0 : i32
    %c0_i32_1 = arith.constant 0 : i32
    return %c0_i32, %c0_i32_0 : i32, i32
  }
  func.func @transform_4(%arg0: i32) -> (i32, i32) {
    %c0_i32 = arith.constant 0 : i32
    %c0_i32_0 = arith.constant 0 : i32
    %c0_i32_1 = arith.constant 0 : i32
    return %c0_i32, %c0_i32_0 : i32, i32
  }
  func.func @transform_5(%arg0: i32) -> (i32, i32) {
    %c0_i32 = arith.constant 0 : i32
    %c0_i32_0 = arith.constant 0 : i32
    %c0_i32_1 = arith.constant 0 : i32
    return %c0_i32, %c0_i32_0 : i32, i32
  }
  func.func @transform_6(%arg0: i32) -> (i32, i32) {
    %c0_i32 = arith.constant 0 : i32
    %c0_i32_0 = arith.constant 0 : i32
    %c0_i32_1 = arith.constant 0 : i32
    return %c0_i32, %c0_i32_0 : i32, i32
  }
  func.func @transform_7(%arg0: i32) -> (i32, i32) {
    %c0_i32 = arith.constant 0 : i32
    %c0_i32_0 = arith.constant 0 : i32
    %c0_i32_1 = arith.constant 0 : i32
    return %c0_i32, %c0_i32_0 : i32, i32
  }
  func.func @transform_8(%arg0: i32) -> (i32, i32) {
    %c0_i32 = arith.constant 0 : i32
    %c0_i32_0 = arith.constant 0 : i32
    %c0_i32_1 = arith.constant 0 : i32
    return %c0_i32, %c0_i32_0 : i32, i32
  }
  func.func @transform_9(%arg0: i32) -> (i32, i32) {
    %c0_i32 = arith.constant 0 : i32
    %c0_i32_0 = arith.constant 0 : i32
    %c0_i32_1 = arith.constant 0 : i32
    return %c0_i32, %c0_i32_0 : i32, i32
  }
  func.func @transform_10(%arg0: i32) -> (i32, i32) {
    %c0_i32 = arith.constant 0 : i32
    %c0_i32_0 = arith.constant 0 : i32
    %c0_i32_1 = arith.constant 0 : i32
    return %c0_i32, %c0_i32_0 : i32, i32
  }
  func.func @transform_11(%arg0: i32) -> (i32, i32) {
    %c0_i32 = arith.constant 0 : i32
    %c0_i32_0 = arith.constant 0 : i32
    %c0_i32_1 = arith.constant 0 : i32
    return %c0_i32, %c0_i32_0 : i32, i32
  }
  func.func @transform_12(%arg0: i32) -> (i32, i32) {
    %c0_i32 = arith.constant 0 : i32
    %c0_i32_0 = arith.constant 0 : i32
    %c0_i32_1 = arith.constant 0 : i32
    return %c0_i32, %c0_i32_0 : i32, i32
  }
  func.func @transform_13(%arg0: i32) -> (i32, i32) {
    %c0_i32 = arith.constant 0 : i32
    %c0_i32_0 = arith.constant 0 : i32
    %c0_i32_1 = arith.constant 0 : i32
    return %c0_i32, %c0_i32_0 : i32, i32
  }
  func.func @transform_14(%arg0: i32) -> (i32, i32) {
    %c0_i32 = arith.constant 0 : i32
    %c0_i32_0 = arith.constant 0 : i32
    %c0_i32_1 = arith.constant 0 : i32
    return %c0_i32, %c0_i32_0 : i32, i32
  }
  func.func @transform_15(%arg0: i32) -> (i32, i32) {
    %c0_i32 = arith.constant 0 : i32
    %c0_i32_0 = arith.constant 0 : i32
    %c0_i32_1 = arith.constant 0 : i32
    return %c0_i32, %c0_i32_0 : i32, i32
  }
}

</mosaic_0001>

<sc_bundles>
// kernel: kernel.11.cloned.1.call-start
scs
__scs_entry_jumppad:
0x0: {  	(pc) =	sbr.rel $0x88, $3  }
0x1: {  	(tag) =	ssettag $0x0;
	lr =	simm.s32 $0x1  }
0x2: {  	[smem:$0x3F87] =	sst lr;
	_ =	strace $0xD0000000  }
0x3: {  	_ = 	snop  }
0x4: {  	_ = 	snop  }
0x5: {  	_ = 	snop  }
0x6: {  	_ = 	snop  }
0x7: {  	_ = 	snop  }
__scs_overlays_trampoline_lowered:
0x8: {  	[smem:$0x3F96] =	sst s0  }
0x9: {  	[smem:$0x3F97] =	sst s1  }
0xa: {  	[smem:$0x3F98] =	sst s2  }
0xb: {  	[smem:$0x3F99] =	sst s3  }
0xc: {  	[smem:$0x3F9A] =	sst s4  }
0xd: {  	[smem:$0x3F9B] =	sst s5  }
0xe: {  	[smem:$0x3F9C] =	sst s6  }
0xf: {  	[smem:$0x3F9D] =	sst s7  }
0x10: {  	[smem:$0x3F9E] =	sst s8  }
0x11: {  	[smem:$0x3F9F] =	sst s9;
	s0 =	simm.s32 @!p0 $0x0  }
0x12: {  	s1 =	sld [smem:$0x3F85];
	s0 =	simm.s32 @p0 $0x1  }
0x13: {  	[smem:$0x3FA0] =	sst s0;
	s0 =	simm.s32 @!p1 $0x0  }
0x14: {  	s2 =	sld [smem:$0x3F84];
	s0 =	simm.s32 @p1 $0x1  }
0x15: {  	[smem:$0x3FA1] =	sst s0;
	s0 =	simm.s32 @!p2 $0x0  }
0x16: {  	s3 =	sld [smem:$0x3FDB];
	s0 =	simm.s32 @p2 $0x1  }
0x17: {  	s4 =	simm.s32 $0x1BF5;
	[smem:$0x3FA3] =	sst s0  }
0x18: {  	s0 =	sld [smem:$0x3F86];
	_ =	swait.ge [sflag:s4], $0x0  }
0x19: {  	s7 =	sld [smem:$0x3F87]  }
0x1a: {  	s8 =	sadd.s32 $0xFFFFE003, lr  }
0x1b: {  	s9 =	sadd.s32 $0xFFFFFEF7, lr;
	s5 =	simm.s32 $0xFFFFFFFF;
	p2 =	slt.u32 s8, $0xFFFFF086  }
0x1c: {  	p1 =	slt.u32 s9, $0xF7A;
	s5 =	simm.s32 @!p2 $0x0  }
0x1d: {  	s5 =	simm.s32 @p1 $0x1;
	p0 =	seq.s32 s7, s2  }
0x1e: {  	s7 =	smul.u32 @!p0 $0xF7A, s2;
	p2 =	seq.s32 @!p0 s5, $0x0  }
0x1f: {  	s9 =	smul.u32 $0xF7A, s1;
	s8 =	simm.s32 @!p0 $0x1BF5;
	p2 =	por !p2, p0  }
0x20: {  	[sflag:s8] =	ssyncset.s32 @!p0 $0xFFFFF086;
	s6 =	sadd.s32 @!p0 s3, s7;
	s7 =	simm.s32 @!p0 $0x108  }
0x21: {  	s3 =	sadd.s32 s3, s9;
	s6 =	sadd.s32 @!p0 $0x88, s6;
	s7 =	simm.s32 @p2 $0x1082  }
0x22: {  	[simem:s7], [sflag:s8] =	dma.local @!p0 [hbm:s6], $0xF7A  }
0x23: {  	s9 =	sor.u32 $0xD0000000, s2;
	s6 =	simm.s32 $0x108;
	_ =	swait.ge @!p0 [sflag:s8], $0x0  }
0x24: {  	s3 =	sadd.s32 $0x88, s3;
	s6 =	simm.s32 @!p1 $0x1082;
	[sflag:s4] =	ssyncset.s32 $0xFFFFF086  }
0x25: {  	[simem:s6], [sflag:s4] =	dma.local [hbm:s3], $0xF7A  }
0x26: {  	[smem:$0x3F87] =	sst s1;
	(tag) =	ssettag s2;
	_ =	strace s9  }
0x27: {  	s1 =	sld [smem:$0x3F97]  }
0x28: {  	s2 =	sld [smem:$0x3F98]  }
0x29: {  	s4 =	sld [smem:$0x3F9A]  }
0x2a: {  	p0 =	seq.s32 s5, $0x0;
	s5 =	sld [smem:$0x3F9B]  }
0x2b: {  	s6 =	sld [smem:$0x3F9C]  }
0x2c: {  	s7 =	sld [smem:$0x3F9D]  }
0x2d: {  	s3 =	simm.s32 $0x108;
	s8 =	sld [smem:$0x3F9E]  }
0x2e: {  	s3 =	simm.s32 @!p0 $0x1082;
	s9 =	sld [smem:$0x3F9F]  }
0x2f: {  	lr =	sadd.s32 s0, s3;
	s0 =	sld [smem:$0x3F96]  }
0x30: {  	s3 =	sld [smem:$0x3F99]  }
0x31: {  	[smem:$0x3FA2] =	sst s10  }
0x32: {  	s10 =	sld [smem:$0x3FA0];
	_ =	sdelay $0x3  }
0x33: {  	p0 =	seq.s32 s10, $0x1;
	s10 =	sld [smem:$0x3FA2];
	_ =	sdelay $0x3  }
0x34: {  	[smem:$0x3FA2] =	sst s10  }
0x35: {  	s10 =	sld [smem:$0x3FA1];
	_ =	sdelay $0x3  }
0x36: {  	p1 =	seq.s32 s10, $0x1;
	s10 =	sld [smem:$0x3FA2];
	_ =	sdelay $0x3  }
0x37: {  	[smem:$0x3FA2] =	sst s10  }
0x38: {  	s10 =	sld [smem:$0x3FA3]  }
0x39: {  	_ = 	snop;
	(pc) =	sbr.ind lr, $3  }
0x3a: {  	_ = 	snop  }
0x3b: {  	_ = 	snop  }
0x3c: {  	p2 =	seq.s32 s10, $0x1;
	s10 =	sld [smem:$0x3FA2]  }
0x3d: {  	_ =	shalt  }
0x3e: {  	_ =	shalt  }
0x3f: {  	_ =	shalt  }
0x40: {  	_ =	shalt  }
0x41: {  	_ =	shalt  }
0x42: {  	_ =	shalt  }
0x43: {  	_ =	shalt  }
0x44: {  	_ =	shalt  }
0x45: {  	_ =	shalt  }
0x46: {  	_ =	shalt  }
0x47: {  	_ =	shalt  }
0x48: {  	_ =	shalt  }
0x49: {  	_ =	shalt  }
0x4a: {  	_ =	shalt  }
0x4b: {  	_ =	shalt  }
0x4c: {  	_ =	shalt  }
0x4d: {  	_ =	shalt  }
0x4e: {  	_ =	shalt  }
0x4f: {  	_ =	shalt  }
0x50: {  	_ =	shalt  }
0x51: {  	_ =	shalt  }
0x52: {  	_ =	shalt  }
0x53: {  	_ =	shalt  }
0x54: {  	_ =	shalt  }
0x55: {  	_ =	shalt  }
0x56: {  	_ =	shalt  }
0x57: {  	_ =	shalt  }
0x58: {  	_ =	shalt  }
0x59: {  	_ =	shalt  }
0x5a: {  	_ =	shalt  }
0x5b: {  	_ =	shalt  }
0x5c: {  	_ =	shalt  }
0x5d: {  	_ =	shalt  }
0x5e: {  	_ =	shalt  }
0x5f: {  	_ =	shalt  }
0x60: {  	_ =	shalt  }
0x61: {  	_ =	shalt  }
0x62: {  	_ =	shalt  }
0x63: {  	_ =	shalt  }
0x64: {  	_ =	shalt  }
0x65: {  	_ =	shalt  }
0x66: {  	_ =	shalt  }
0x67: {  	_ =	shalt  }
0x68: {  	_ =	shalt  }
0x69: {  	_ =	shalt  }
0x6a: {  	_ =	shalt  }
0x6b: {  	_ =	shalt  }
0x6c: {  	_ =	shalt  }
0x6d: {  	_ =	shalt  }
0x6e: {  	_ =	shalt  }
0x6f: {  	_ =	shalt  }
0x70: {  	_ =	shalt  }
0x71: {  	_ =	shalt  }
0x72: {  	_ =	shalt  }
0x73: {  	_ =	shalt  }
0x74: {  	_ =	shalt  }
0x75: {  	_ =	shalt  }
0x76: {  	_ =	shalt  }
0x77: {  	_ =	shalt  }
0x78: {  	_ =	shalt  }
0x79: {  	_ =	shalt  }
0x7a: {  	_ =	shalt  }
0x7b: {  	_ =	shalt  }
0x7c: {  	_ =	shalt  }
0x7d: {  	_ =	shalt  }
0x7e: {  	_ =	shalt  }
0x7f: {  	_ =	shalt  }
0x80: {  	_ =	shalt  }
0x81: {  	_ =	shalt  }
0x82: {  	_ =	shalt  }
0x83: {  	_ =	shalt  }
0x84: {  	_ =	shalt  }
0x85: {  	_ =	shalt  }
0x86: {  	_ =	shalt  }
0x87: {  	_ =	shalt  }
.Lfunc_end0:
.L_simem_size_0:
called_computation.2_lowered:
.L_overlay_start_0:
0x88: {  	s2 =	sld [smem:$0x3FD9]  }
0x89: {  	s3 =	sld [smem:$0x3FFE];
	_ =	sdelay $0x1  }
0x8a: {  	s1 =	srdreg.scid  }
0x8b: {  	s0 =	sand.u32 $0x1, s1  }
0x8c: {  	s17 =	sshll.u32 s0, $0xA;
	s2 =	sadd.s32 s3, s2  }
0x8d: {  	s2 =	sadd.s32 s2, s17  }
0x8e: {  	[smem:$0x3FAE] =	sst s2  }
0x8f: {  	_ = 	snop  }
0x90: {  	s2 =	sld [smem:$0x3FD0];
	(tm) =	ssettm $0x1  }
0x91: {  	s18 =	sld [smem:$0x3FFB];
	_ =	sdelay $0x3  }
0x92: {  	_ =	strace s18  }
0x93: {  	s3 =	sld [smem:$0x3FFC];
	_ =	sdelay $0x3  }
0x94: {  	_ =	strace s3  }
0x95: {  	s3 =	sld [smem:$0x3FFD];
	_ =	sdelay $0x3  }
0x96: {  	_ =	strace s3  }
0x97: {  	_ =	strace $0x8FFFFFFF  }
0x98: {  	s19 =	sld [smem:$0x3FDB];
	_ =	sdelay $0x1  }
0x99: {  	s4 =	simm.s32 $_scs_section_size  }
0x9a: {  	s5 =	simm.s32 $_size__tile_overlayer_lowered;
	s6 =	simm.s32 $_tile_overlayer_lowered  }
0x9b: {  	s22 =	simm.s32 $0x1BFF;
	s21 =	sshll.u32 s6, $0x1;
	s3 =	sadd.s32 s4, s19  }
0x9c: {  	s7 =	simm.s32 $0x0;
	s20 =	sshll.u32 s5, $0x1;
	s5 =	sadd.s32 s21, s3  }
0x9d: {  	[timem:s7], [sflag:s22] =	dma.local [hbm:s5], s20  }
0x9e: {  	_ =	swait.ge [sflag:s22], s20  }
0x9f: {  	s4 =	ssub.s32 $0x0, s20;
	[sflag:s22] =	ssyncset.done $0x0  }
0xa0: {  	[sflag:s22] =	ssyncadd.s32 s4;
	_ =	sdelay $0x1  }
0xa1: {  	s23 =	simm.s32 $0x1B8B  }
0xa2: {  	_ =	swait.ge [sflag:s23], $0x1  }
0xa3: {  	[sflag:s23] =	ssyncset.done $0x0  }
0xa4: {  	s25 =	simm.s32 $0x1B8E;
	s24 =	sld [smem:$0x3FFE];
	[sflag:s23] =	ssyncadd.s32 $0xFFFFFFFF  }
0xa5: {  	s26 =	simm.s32 $execute0_lowered;
	[smem:$0x3FD2] =	sst s25  }
0xa6: {  	s5 =	sshll.u32 s26, $0x1;
	_ =	strace $0x8000004C;
	[dreg:$0x1] =	wrdreg $0xFFFFFFFF  }
0xa7: {  	s28 =	simm.s32 $_size_execute0_lowered;
	s3 =	sadd.s32 s3, s5;
	[dreg:$0x0] =	wrdreg $0x0  }
0xa8: {  	s5 =	sshll.u32 s28, $0x1;
	[dreg:$0x2] =	wrdreg s3  }
0xa9: {  	[dreg:$0x3] =	wrdreg s5  }
0xaa: {  	[dreg:$0x4] =	wrdreg $0xC0  }
0xab: {  	_ =	task [dreg:s7], $0x5FFFF  }
0xac: {  	[dreg:$0x1] =	wrdreg $0xFFFFFFFF  }
0xad: {  	[dreg:$0x0] =	wrdreg $0x60  }
0xae: {  	[dreg:$0x2] =	wrdreg s2  }
0xaf: {  	[dreg:$0x3] =	wrdreg s24  }
0xb0: {  	[dreg:$0x4] =	wrdreg $0x9  }
0xb1: {  	_ =	task.clear_ibuf [dreg:s7], $0x5FFFF;
	_ =	strace $0x9000004C  }
0xb2: {  	s29 =	simm.s32 $0x9;
	_ =	strace $0x8000004E  }
0xb3: {  	_ =	swait.ge [sflag:s29], $0x1  }
0xb4: {  	[sflag:s29] =	ssyncadd.s32 $0xFFFFFFFF  }
0xb5: {  	_ =	strace $0x9000004E  }
0xb6: {  	_ =	sfence  }
0xb7: {  	s30 =	sld [smem:$0x0];
	_ =	sdelay $0x2  }
0xb8: {  	s31 =	sshll.u32 s1, $0xD;
	s1 =	sshrl.u32 s1, $0x2  }
0xb9: {  	s3 =	sand.u32 $0x4000, s31;
	s1 =	sadd.s32 s1, s30  }
0xba: {  	s0 =	sor.u32 s3, s0;
	s1 =	sshll.u32 s1, $0x11  }
0xbb: {  	s0 =	sor.u32 s1, s0  }
0xbc: {  	s0 =	sadd.s32 $0x8F2B, s0  }
0xbd: {  	[sflag:s0] =	ssyncadd.remote.s32 $0x1  }
0xbe: {  	_ =	sfence.sel $0xFFFF  }
0xbf: {  	[dreg:$0x0] =	wrdreg $0xFFFFFFFF;
	(pc) =	sbr.abs _section_cstart, $3  }
0xc0: {  	[dreg:$0x1] =	wrdreg $0xFFFFFFFF  }
0xc1: {  	_ =	task.clear_ibuf [dreg:s7], $0x2FFFF;
	_ =	strace $0x9FFFFFFF  }
0xc2: {  	(tm) =	ssettm $0x7FFFFFFF  }
0xc3: {  	_ =	shalt  }
tec
execute0_lowered:
.L_overlay_start_1:
0x0: {  	(tag) =	ssettag $0x1  }
0x1: {  	s1 =	srdreg.scid;
	s0 =	stileid.u32  }
0x2: {  	s17 =	sand.u32 $0x1, s1;
	s29 =	sshll.u32 s0, $0x1  }
0x3: {  	s2 =	rddreg [dreg:$0x0];
	s19 =	sor.u32 s17, s29  }
0x4: {  	s8 =	rddreg [dreg:$0x1];
	s3 =	simm.s32 $0x0;
	s4 =	smul.u32 $0x271, s19  }
0x5: {  	s5 =	simm.s32 $0x3;
	[smem:$0x7FF] =	sst s3;
	s16 =	sadd.s32 $0x1EE00, s8  }
0x6: {  	s1 =	rddreg [dreg:$0x2];
	_ =	strace $0x8000004D;
	s4 =	sadd.s32 s16, s4  }
0x7: {  	[tilespmem:s3], [sflag:$0x3] =	stream.linear.gather [hbm4b:s4+s3], $0x1388, $0x38;
	[tilespmem:$0xAFC8] =	vst v63  }
0x8: {  	_ =	swait.ge [sflag:s5], $0x1388  }
0x9: {  	[sflag:s5] =	ssyncset.done $0x0  }
0xa: {  	s6 =	simm.s32 $0x1388;
	s7 =	simm.s32 $0x1;
	[sflag:s5] =	ssyncadd.s32 $0xFFFFEC78  }
0xb: {  	[tilespmem:s6], [sflag:$0x1] =	stream.indirect.gather [hbm4b:s2+s6], $0x8, s3, s6, $0xb8;
	[tilespmem:$0xAFC8] =	vst v63  }
0xc: {  	s9 =	smul.u32 $0x1388, s19;
	_ =	swait.ge [sflag:s7], $0x9C40  }
0xd: {  	s18 =	sadd.s32 $0xFAE00, s8;
	s11 =	sor.u32 $0x20, s19;
	[sflag:s7] =	ssyncset.done $0x0  }
0xe: {  	s8 =	sadd.s32 s18, s9;
	s9 =	simm.s32 $0x2;
	[sflag:s7] =	ssyncadd.s32 $0xFFFF63C0  }
0xf: {  	[hbm4b:s8+s3] =	stream.linear.scatter [tilespmem:s6], [sflag:$0x2], $0x9C40, $0x38;
	[tilespmem:$0xAFC8] =	vst v63  }
0x10: {  	s10 =	smul.u32 $0x271, s11;
	_ =	swait.ge [sflag:s9], $0x9C40  }
0x11: {  	[sflag:s9] =	ssyncset.done $0x0  }
0x12: {  	s10 =	sadd.s32 s16, s10;
	[sflag:s9] =	ssyncadd.s32 $0xFFFF63C0  }
0x13: {  	[tilespmem:s3], [sflag:$0x3] =	stream.linear.gather [hbm4b:s10+s3], $0x1388, $0x38;
	[tilespmem:$0xAFC8] =	vst v63  }
0x14: {  	_ =	swait.ge [sflag:s5], $0x1388  }
0x15: {  	[sflag:s5] =	ssyncset.done $0x0  }
0x16: {  	[sflag:s5] =	ssyncadd.s32 $0xFFFFEC78  }
0x17: {  	[tilespmem:s6], [sflag:$0x1] =	stream.indirect.gather [hbm4b:s2+s6], $0x8, s3, s6, $0xb8;
	[tilespmem:$0xAFC8] =	vst v63  }
0x18: {  	s11 =	smul.u32 $0x1388, s11;
	_ =	swait.ge [sflag:s7], $0x9C40  }
0x19: {  	[sflag:s7] =	ssyncset.done $0x0  }
0x1a: {  	s13 =	sor.u32 $0x40, s19;
	s11 =	sadd.s32 s18, s11;
	[sflag:s7] =	ssyncadd.s32 $0xFFFF63C0  }
0x1b: {  	[hbm4b:s11+s3] =	stream.linear.scatter [tilespmem:s6], [sflag:$0x2], $0x9C40, $0x38;
	[tilespmem:$0xAFC8] =	vst v63  }
0x1c: {  	s12 =	smul.u32 $0x271, s13;
	_ =	swait.ge [sflag:s9], $0x9C40  }
0x1d: {  	[sflag:s9] =	ssyncset.done $0x0  }
0x1e: {  	s12 =	sadd.s32 s16, s12;
	[sflag:s9] =	ssyncadd.s32 $0xFFFF63C0  }
0x1f: {  	[tilespmem:s3], [sflag:$0x3] =	stream.linear.gather [hbm4b:s12+s3], $0x1388, $0x38;
	[tilespmem:$0xAFC8] =	vst v63  }
0x20: {  	_ =	swait.ge [sflag:s5], $0x1388  }
0x21: {  	[sflag:s5] =	ssyncset.done $0x0  }
0x22: {  	[sflag:s5] =	ssyncadd.s32 $0xFFFFEC78  }
0x23: {  	[tilespmem:s6], [sflag:$0x1] =	stream.indirect.gather [hbm4b:s2+s6], $0x8, s3, s6, $0xb8;
	[tilespmem:$0xAFC8] =	vst v63  }
0x24: {  	s13 =	smul.u32 $0x1388, s13;
	_ =	swait.ge [sflag:s7], $0x9C40  }
0x25: {  	[sflag:s7] =	ssyncset.done $0x0  }
0x26: {  	s15 =	sor.u32 $0x60, s19;
	s13 =	sadd.s32 s18, s13;
	[sflag:s7] =	ssyncadd.s32 $0xFFFF63C0  }
0x27: {  	[hbm4b:s13+s3] =	stream.linear.scatter [tilespmem:s6], [sflag:$0x2], $0x9C40, $0x38;
	[tilespmem:$0xAFC8] =	vst v63  }
0x28: {  	s14 =	smul.u32 $0x271, s15;
	_ =	swait.ge [sflag:s9], $0x9C40  }
0x29: {  	[sflag:s9] =	ssyncset.done $0x0  }
0x2a: {  	s14 =	sadd.s32 s16, s14;
	[sflag:s9] =	ssyncadd.s32 $0xFFFF63C0  }
0x2b: {  	[tilespmem:s3], [sflag:$0x3] =	stream.linear.gather [hbm4b:s14+s3], $0x1388, $0x38;
	[tilespmem:$0xAFC8] =	vst v63  }
0x2c: {  	_ =	swait.ge [sflag:s5], $0x1388  }
0x2d: {  	[sflag:s5] =	ssyncset.done $0x0  }
0x2e: {  	[sflag:s5] =	ssyncadd.s32 $0xFFFFEC78  }
0x2f: {  	[tilespmem:s6], [sflag:$0x1] =	stream.indirect.gather [hbm4b:s2+s6], $0x8, s3, s6, $0xb8;
	[tilespmem:$0xAFC8] =	vst v63  }
0x30: {  	s15 =	smul.u32 $0x1388, s15;
	_ =	swait.ge [sflag:s7], $0x9C40  }
0x31: {  	[sflag:s7] =	ssyncset.done $0x0  }
0x32: {  	s19 =	sor.u32 $0x80, s19;
	s15 =	sadd.s32 s18, s15;
	[sflag:s7] =	ssyncadd.s32 $0xFFFF63C0  }
0x33: {  	[hbm4b:s15+s3] =	stream.linear.scatter [tilespmem:s6], [sflag:$0x2], $0x9C40, $0x38;
	[tilespmem:$0xAFC8] =	vst v63  }
0x34: {  	s20 =	smul.u32 $0x271, s19;
	_ =	swait.ge [sflag:s9], $0x9C40  }
0x35: {  	[sflag:s9] =	ssyncset.done $0x0  }
0x36: {  	s17 =	ssub.s32 $0x2, s17;
	s16 =	sadd.s32 s16, s20;
	[sflag:s9] =	ssyncadd.s32 $0xFFFF63C0  }
0x37: {  	[tilespmem:s3], [sflag:$0x3] =	stream.linear.gather [hbm4b:s16+s3], $0x1388, $0x38;
	[tilespmem:$0xAFC8] =	vst v63  }
0x38: {  	s30 =	sshrl.u32 s17, $0x1;
	_ =	swait.ge [sflag:s5], $0x1388  }
0x39: {  	s20 =	ssub.s32 s17, s30;
	[sflag:s5] =	ssyncset.done $0x0  }
0x3a: {  	s31 =	smax.u32 s20, $0x1;
	[sflag:s5] =	ssyncadd.s32 $0xFFFFEC78  }
0x3b: {  	[tilespmem:s6], [sflag:$0x1] =	stream.indirect.gather [hbm4b:s2+s6], $0x8, s3, s6, $0xb8;
	[tilespmem:$0xAFC8] =	vst v63  }
0x3c: {  	s19 =	smul.u32 $0x1388, s19;
	p0 =	sne.s32 s31, $0x1;
	_ =	swait.ge [sflag:s7], $0x9C40  }
.Ltmp0:
0x3d: {  	[sflag:s7] =	ssyncset.done $0x0;
	(pc) =	sbr.rel @!p0 .LBB2_2-.Ltmp0, $4  }
0x3e: {  	s17 =	sadd.s32 s18, s19;
	[sflag:s7] =	ssyncadd.s32 $0xFFFF63C0  }
0x3f: {  	[hbm4b:s17+s3] =	stream.linear.scatter [tilespmem:s6], [sflag:$0x2], $0x9C40, $0x38;
	[tilespmem:$0xAFC8] =	vst v63  }
0x40: {  	_ =	swait.ge [sflag:s9], $0x9C40  }
0x41: {  	s18 =	sadd.s32 $0xFFFFFFFF, s31;
	[sflag:s9] =	ssyncset.done $0x0  }
.LBB2_1:
0x42: {  	p0 =	sne.s32 s18, $0x1;
	s18 =	sadd.s32 $0xFFFFFFFF, s18;
	[sflag:s9] =	ssyncadd.s32 $0xFFFF63C0  }
0x43: {  	[tilespmem:s3], [sflag:$0x3] =	stream.linear.gather [hbm4b:s4+s3], $0x1388, $0x38;
	[tilespmem:$0xAFC8] =	vst v63  }
0x44: {  	_ =	swait.ge [sflag:s5], $0x1388  }
0x45: {  	[sflag:s5] =	ssyncset.done $0x0  }
0x46: {  	[sflag:s5] =	ssyncadd.s32 $0xFFFFEC78  }
0x47: {  	[tilespmem:s6], [sflag:$0x1] =	stream.indirect.gather [hbm4b:s2+s6], $0x8, s3, s6, $0xb8;
	[tilespmem:$0xAFC8] =	vst v63  }
0x48: {  	_ =	swait.ge [sflag:s7], $0x9C40  }
0x49: {  	[sflag:s7] =	ssyncset.done $0x0  }
0x4a: {  	[sflag:s7] =	ssyncadd.s32 $0xFFFF63C0  }
0x4b: {  	[hbm4b:s8+s3] =	stream.linear.scatter [tilespmem:s6], [sflag:$0x2], $0x9C40, $0x38;
	[tilespmem:$0xAFC8] =	vst v63  }
0x4c: {  	_ =	swait.ge [sflag:s9], $0x9C40  }
0x4d: {  	[sflag:s9] =	ssyncset.done $0x0  }
0x4e: {  	[sflag:s9] =	ssyncadd.s32 $0xFFFF63C0  }
0x4f: {  	[tilespmem:s3], [sflag:$0x3] =	stream.linear.gather [hbm4b:s10+s3], $0x1388, $0x38;
	[tilespmem:$0xAFC8] =	vst v63  }
0x50: {  	_ =	swait.ge [sflag:s5], $0x1388  }
0x51: {  	[sflag:s5] =	ssyncset.done $0x0  }
0x52: {  	[sflag:s5] =	ssyncadd.s32 $0xFFFFEC78  }
0x53: {  	[tilespmem:s6], [sflag:$0x1] =	stream.indirect.gather [hbm4b:s2+s6], $0x8, s3, s6, $0xb8;
	[tilespmem:$0xAFC8] =	vst v63  }
0x54: {  	_ =	swait.ge [sflag:s7], $0x9C40  }
0x55: {  	[sflag:s7] =	ssyncset.done $0x0  }
0x56: {  	[sflag:s7] =	ssyncadd.s32 $0xFFFF63C0  }
0x57: {  	[hbm4b:s11+s3] =	stream.linear.scatter [tilespmem:s6], [sflag:$0x2], $0x9C40, $0x38;
	[tilespmem:$0xAFC8] =	vst v63  }
0x58: {  	_ =	swait.ge [sflag:s9], $0x9C40  }
0x59: {  	[sflag:s9] =	ssyncset.done $0x0  }
0x5a: {  	[sflag:s9] =	ssyncadd.s32 $0xFFFF63C0  }
0x5b: {  	[tilespmem:s3], [sflag:$0x3] =	stream.linear.gather [hbm4b:s12+s3], $0x1388, $0x38;
	[tilespmem:$0xAFC8] =	vst v63  }
0x5c: {  	_ =	swait.ge [sflag:s5], $0x1388  }
0x5d: {  	[sflag:s5] =	ssyncset.done $0x0  }
0x5e: {  	[sflag:s5] =	ssyncadd.s32 $0xFFFFEC78  }
0x5f: {  	[tilespmem:s6], [sflag:$0x1] =	stream.indirect.gather [hbm4b:s2+s6], $0x8, s3, s6, $0xb8;
	[tilespmem:$0xAFC8] =	vst v63  }
0x60: {  	_ =	swait.ge [sflag:s7], $0x9C40  }
0x61: {  	[sflag:s7] =	ssyncset.done $0x0  }
0x62: {  	[sflag:s7] =	ssyncadd.s32 $0xFFFF63C0  }
0x63: {  	[hbm4b:s13+s3] =	stream.linear.scatter [tilespmem:s6], [sflag:$0x2], $0x9C40, $0x38;
	[tilespmem:$0xAFC8] =	vst v63  }
0x64: {  	_ =	swait.ge [sflag:s9], $0x9C40  }
0x65: {  	[sflag:s9] =	ssyncset.done $0x0  }
0x66: {  	[sflag:s9] =	ssyncadd.s32 $0xFFFF63C0  }
0x67: {  	[tilespmem:s3], [sflag:$0x3] =	stream.linear.gather [hbm4b:s14+s3], $0x1388, $0x38;
	[tilespmem:$0xAFC8] =	vst v63  }
0x68: {  	_ =	swait.ge [sflag:s5], $0x1388  }
0x69: {  	[sflag:s5] =	ssyncset.done $0x0  }
0x6a: {  	[sflag:s5] =	ssyncadd.s32 $0xFFFFEC78  }
0x6b: {  	[tilespmem:s6], [sflag:$0x1] =	stream.indirect.gather [hbm4b:s2+s6], $0x8, s3, s6, $0xb8;
	[tilespmem:$0xAFC8] =	vst v63  }
0x6c: {  	_ =	swait.ge [sflag:s7], $0x9C40  }
0x6d: {  	[sflag:s7] =	ssyncset.done $0x0  }
0x6e: {  	[sflag:s7] =	ssyncadd.s32 $0xFFFF63C0  }
0x6f: {  	[hbm4b:s15+s3] =	stream.linear.scatter [tilespmem:s6], [sflag:$0x2], $0x9C40, $0x38;
	[tilespmem:$0xAFC8] =	vst v63  }
0x70: {  	_ =	swait.ge [sflag:s9], $0x9C40  }
0x71: {  	[sflag:s9] =	ssyncset.done $0x0  }
0x72: {  	[sflag:s9] =	ssyncadd.s32 $0xFFFF63C0  }
0x73: {  	[tilespmem:s3], [sflag:$0x3] =	stream.linear.gather [hbm4b:s16+s3], $0x1388, $0x38;
	[tilespmem:$0xAFC8] =	vst v63  }
0x74: {  	_ =	swait.ge [sflag:s5], $0x1388  }
0x75: {  	[sflag:s5] =	ssyncset.done $0x0  }
0x76: {  	[sflag:s5] =	ssyncadd.s32 $0xFFFFEC78  }
0x77: {  	[tilespmem:s6], [sflag:$0x1] =	stream.indirect.gather [hbm4b:s2+s6], $0x8, s3, s6, $0xb8;
	[tilespmem:$0xAFC8] =	vst v63  }
0x78: {  	_ =	swait.ge [sflag:s7], $0x9C40  }
.Ltmp1:
0x79: {  	[sflag:s7] =	ssyncset.done $0x0;
	(pc) =	sbr.rel @p0 .LBB2_1-.Ltmp1, $4  }
0x7a: {  	[sflag:s7] =	ssyncadd.s32 $0xFFFF63C0  }
0x7b: {  	[hbm4b:s17+s3] =	stream.linear.scatter [tilespmem:s6], [sflag:$0x2], $0x9C40, $0x38;
	[tilespmem:$0xAFC8] =	vst v63  }
0x7c: {  	_ =	swait.ge [sflag:s9], $0x9C40  }
0x7d: {  	[sflag:s9] =	ssyncset.done $0x0  }
.LBB2_2:
0x7e: {  	[sflag:s9] =	ssyncadd.s32 $0xFFFF63C0  }
0x7f: {  	_ =	sfence.sel $0x180000  }
0x80: {  	[bflag:$0x0] =	sbarrier.arrive $0xFFFF  }
0x81: {  	p0 =	sne.s32 s0, $0x0;
	_ =	strace $0x9000004D  }
0x82: {  	s0 =	sadd.s32 @!p0 $0x100000, s1;
	[bflag:$0x2] =	sbarrier.arrive $0xFFFF  }
0x83: {  	[sflag:s0] =	ssyncadd.tile.s32 @!p0 $0x1;
	_ =	shalt  }
.Lfunc_end2:
_tile_overlayer_lowered:
.L_overlay_start_2:
0x84: {  	(tag) =	ssettag $0x2  }
0x85: {  	s0 =	rddreg [dreg:$0x0];
	s2 =	stileid.u32  }
0x86: {  	s1 =	rddreg [dreg:$0x1];
	p0 =	sne.s32 s2, $0x0  }
0x87: {  	s3 =	rddreg [dreg:$0x2];
	[bflag:$0x3] =	sbarrier.arrive $0xFFFF;
	s2 =	simm.s32 @!p0 $0x1C02  }
0x88: {  	[timem:s3], [sflag:s2] =	dma.local @!p0 [hbm:s0], s1  }
0x89: {  	s0 =	simm.s32 @!p0 $0x2  }
0x8a: {  	_ =	swait.ge @!p0 [sflag:s0], s1  }
0x8b: {  	s1 =	ssub.s32 @!p0 $0x0, s1;
	[sflag:s0] =	ssyncset.done @!p0 $0x0  }
0x8c: {  	[sflag:s0] =	ssyncadd.s32 @!p0 s1  }
0x8d: {  	[bflag:$0x3] =	sbarrier.arrive $0xFFFF  }
0x8e: {  	_ =	shalt  }

// kernel: kernel.8.cloned.1.call-start
scs
__scs_entry_jumppad:
0x0: {  	(pc) =	sbr.rel $0x88, $3  }
0x1: {  	(tag) =	ssettag $0x0;
	lr =	simm.s32 $0x1  }
0x2: {  	[smem:$0x3F87] =	sst lr;
	_ =	strace $0xD0000000  }
0x3: {  	_ = 	snop  }
0x4: {  	_ = 	snop  }
0x5: {  	_ = 	snop  }
0x6: {  	_ = 	snop  }
0x7: {  	_ = 	snop  }
__scs_overlays_trampoline_lowered:
0x8: {  	[smem:$0x3F96] =	sst s0  }
0x9: {  	[smem:$0x3F97] =	sst s1  }
0xa: {  	[smem:$0x3F98] =	sst s2  }
0xb: {  	[smem:$0x3F99] =	sst s3  }
0xc: {  	[smem:$0x3F9A] =	sst s4  }
0xd: {  	[smem:$0x3F9B] =	sst s5  }
0xe: {  	[smem:$0x3F9C] =	sst s6  }
0xf: {  	[smem:$0x3F9D] =	sst s7  }
0x10: {  	[smem:$0x3F9E] =	sst s8  }
0x11: {  	[smem:$0x3F9F] =	sst s9;
	s0 =	simm.s32 @!p0 $0x0  }
0x12: {  	s1 =	sld [smem:$0x3F85];
	s0 =	simm.s32 @p0 $0x1  }
0x13: {  	[smem:$0x3FA0] =	sst s0;
	s0 =	simm.s32 @!p1 $0x0  }
0x14: {  	s2 =	sld [smem:$0x3F84];
	s0 =	simm.s32 @p1 $0x1  }
0x15: {  	[smem:$0x3FA1] =	sst s0;
	s0 =	simm.s32 @!p2 $0x0  }
0x16: {  	s3 =	sld [smem:$0x3FDB];
	s0 =	simm.s32 @p2 $0x1  }
0x17: {  	s4 =	simm.s32 $0x1BF5;
	[smem:$0x3FA3] =	sst s0  }
0x18: {  	s0 =	sld [smem:$0x3F86];
	_ =	swait.ge [sflag:s4], $0x0  }
0x19: {  	s7 =	sld [smem:$0x3F87]  }
0x1a: {  	s8 =	sadd.s32 $0xFFFFE003, lr  }
0x1b: {  	s9 =	sadd.s32 $0xFFFFFEF7, lr;
	s5 =	simm.s32 $0xFFFFFFFF;
	p2 =	slt.u32 s8, $0xFFFFF086  }
0x1c: {  	p1 =	slt.u32 s9, $0xF7A;
	s5 =	simm.s32 @!p2 $0x0  }
0x1d: {  	s5 =	simm.s32 @p1 $0x1;
	p0 =	seq.s32 s7, s2  }
0x1e: {  	s7 =	smul.u32 @!p0 $0xF7A, s2;
	p2 =	seq.s32 @!p0 s5, $0x0  }
0x1f: {  	s9 =	smul.u32 $0xF7A, s1;
	s8 =	simm.s32 @!p0 $0x1BF5;
	p2 =	por !p2, p0  }
0x20: {  	[sflag:s8] =	ssyncset.s32 @!p0 $0xFFFFF086;
	s6 =	sadd.s32 @!p0 s3, s7;
	s7 =	simm.s32 @!p0 $0x108  }
0x21: {  	s3 =	sadd.s32 s3, s9;
	s6 =	sadd.s32 @!p0 $0x88, s6;
	s7 =	simm.s32 @p2 $0x1082  }
0x22: {  	[simem:s7], [sflag:s8] =	dma.local @!p0 [hbm:s6], $0xF7A  }
0x23: {  	s9 =	sor.u32 $0xD0000000, s2;
	s6 =	simm.s32 $0x108;
	_ =	swait.ge @!p0 [sflag:s8], $0x0  }
0x24: {  	s3 =	sadd.s32 $0x88, s3;
	s6 =	simm.s32 @!p1 $0x1082;
	[sflag:s4] =	ssyncset.s32 $0xFFFFF086  }
0x25: {  	[simem:s6], [sflag:s4] =	dma.local [hbm:s3], $0xF7A  }
0x26: {  	[smem:$0x3F87] =	sst s1;
	(tag) =	ssettag s2;
	_ =	strace s9  }
0x27: {  	s1 =	sld [smem:$0x3F97]  }
0x28: {  	s2 =	sld [smem:$0x3F98]  }
0x29: {  	s4 =	sld [smem:$0x3F9A]  }
0x2a: {  	p0 =	seq.s32 s5, $0x0;
	s5 =	sld [smem:$0x3F9B]  }
0x2b: {  	s6 =	sld [smem:$0x3F9C]  }
0x2c: {  	s7 =	sld [smem:$0x3F9D]  }
0x2d: {  	s3 =	simm.s32 $0x108;
	s8 =	sld [smem:$0x3F9E]  }
0x2e: {  	s3 =	simm.s32 @!p0 $0x1082;
	s9 =	sld [smem:$0x3F9F]  }
0x2f: {  	lr =	sadd.s32 s0, s3;
	s0 =	sld [smem:$0x3F96]  }
0x30: {  	s3 =	sld [smem:$0x3F99]  }
0x31: {  	[smem:$0x3FA2] =	sst s10  }
0x32: {  	s10 =	sld [smem:$0x3FA0];
	_ =	sdelay $0x3  }
0x33: {  	p0 =	seq.s32 s10, $0x1;
	s10 =	sld [smem:$0x3FA2];
	_ =	sdelay $0x3  }
0x34: {  	[smem:$0x3FA2] =	sst s10  }
0x35: {  	s10 =	sld [smem:$0x3FA1];
	_ =	sdelay $0x3  }
0x36: {  	p1 =	seq.s32 s10, $0x1;
	s10 =	sld [smem:$0x3FA2];
	_ =	sdelay $0x3  }
0x37: {  	[smem:$0x3FA2] =	sst s10  }
0x38: {  	s10 =	sld [smem:$0x3FA3]  }
0x39: {  	_ = 	snop;
	(pc) =	sbr.ind lr, $3  }
0x3a: {  	_ = 	snop  }
0x3b: {  	_ = 	snop  }
0x3c: {  	p2 =	seq.s32 s10, $0x1;
	s10 =	sld [smem:$0x3FA2]  }
0x3d: {  	_ =	shalt  }
0x3e: {  	_ =	shalt  }
0x3f: {  	_ =	shalt  }
0x40: {  	_ =	shalt  }
0x41: {  	_ =	shalt  }
0x42: {  	_ =	shalt  }
0x43: {  	_ =	shalt  }
0x44: {  	_ =	shalt  }
0x45: {  	_ =	shalt  }
0x46: {  	_ =	shalt  }
0x47: {  	_ =	shalt  }
0x48: {  	_ =	shalt  }
0x49: {  	_ =	shalt  }
0x4a: {  	_ =	shalt  }
0x4b: {  	_ =	shalt  }
0x4c: {  	_ =	shalt  }
0x4d: {  	_ =	shalt  }
0x4e: {  	_ =	shalt  }
0x4f: {  	_ =	shalt  }
0x50: {  	_ =	shalt  }
0x51: {  	_ =	shalt  }
0x52: {  	_ =	shalt  }
0x53: {  	_ =	shalt  }
0x54: {  	_ =	shalt  }
0x55: {  	_ =	shalt  }
0x56: {  	_ =	shalt  }
0x57: {  	_ =	shalt  }
0x58: {  	_ =	shalt  }
0x59: {  	_ =	shalt  }
0x5a: {  	_ =	shalt  }
0x5b: {  	_ =	shalt  }
0x5c: {  	_ =	shalt  }
0x5d: {  	_ =	shalt  }
0x5e: {  	_ =	shalt  }
0x5f: {  	_ =	shalt  }
0x60: {  	_ =	shalt  }
0x61: {  	_ =	shalt  }
0x62: {  	_ =	shalt  }
0x63: {  	_ =	shalt  }
0x64: {  	_ =	shalt  }
0x65: {  	_ =	shalt  }
0x66: {  	_ =	shalt  }
0x67: {  	_ =	shalt  }
0x68: {  	_ =	shalt  }
0x69: {  	_ =	shalt  }
0x6a: {  	_ =	shalt  }
0x6b: {  	_ =	shalt  }
0x6c: {  	_ =	shalt  }
0x6d: {  	_ =	shalt  }
0x6e: {  	_ =	shalt  }
0x6f: {  	_ =	shalt  }
0x70: {  	_ =	shalt  }
0x71: {  	_ =	shalt  }
0x72: {  	_ =	shalt  }
0x73: {  	_ =	shalt  }
0x74: {  	_ =	shalt  }
0x75: {  	_ =	shalt  }
0x76: {  	_ =	shalt  }
0x77: {  	_ =	shalt  }
0x78: {  	_ =	shalt  }
0x79: {  	_ =	shalt  }
0x7a: {  	_ =	shalt  }
0x7b: {  	_ =	shalt  }
0x7c: {  	_ =	shalt  }
0x7d: {  	_ =	shalt  }
0x7e: {  	_ =	shalt  }
0x7f: {  	_ =	shalt  }
0x80: {  	_ =	shalt  }
0x81: {  	_ =	shalt  }
0x82: {  	_ =	shalt  }
0x83: {  	_ =	shalt  }
0x84: {  	_ =	shalt  }
0x85: {  	_ =	shalt  }
0x86: {  	_ =	shalt  }
0x87: {  	_ =	shalt  }
.Lfunc_end0:
.L_simem_size_0:
called_computation.1_lowered:
.L_overlay_start_0:
0x88: {  	s2 =	sld [smem:$0x3FD9]  }
0x89: {  	s3 =	sld [smem:$0x3FFE];
	_ =	sdelay $0x1  }
0x8a: {  	s1 =	srdreg.scid  }
0x8b: {  	s0 =	sand.u32 $0x1, s1  }
0x8c: {  	s17 =	sshll.u32 s0, $0xA;
	s2 =	sadd.s32 s3, s2  }
0x8d: {  	s2 =	sadd.s32 s2, s17  }
0x8e: {  	[smem:$0x3FAE] =	sst s2  }
0x8f: {  	_ = 	snop  }
0x90: {  	s2 =	sld [smem:$0x3FD0];
	(tm) =	ssettm $0x1  }
0x91: {  	s18 =	sld [smem:$0x3FFB];
	_ =	sdelay $0x3  }
0x92: {  	_ =	strace s18  }
0x93: {  	s3 =	sld [smem:$0x3FFC];
	_ =	sdelay $0x3  }
0x94: {  	_ =	strace s3  }
0x95: {  	s3 =	sld [smem:$0x3FFD];
	_ =	sdelay $0x3  }
0x96: {  	_ =	strace s3  }
0x97: {  	_ =	strace $0x8FFFFFFF  }
0x98: {  	s19 =	sld [smem:$0x3FDB];
	_ =	sdelay $0x1  }
0x99: {  	s4 =	simm.s32 $_scs_section_size  }
0x9a: {  	s5 =	simm.s32 $_size__tile_overlayer_lowered;
	s6 =	simm.s32 $_tile_overlayer_lowered  }
0x9b: {  	s22 =	simm.s32 $0x1BFF;
	s21 =	sshll.u32 s6, $0x1;
	s3 =	sadd.s32 s4, s19  }
0x9c: {  	s7 =	simm.s32 $0x0;
	s20 =	sshll.u32 s5, $0x1;
	s5 =	sadd.s32 s21, s3  }
0x9d: {  	[timem:s7], [sflag:s22] =	dma.local [hbm:s5], s20  }
0x9e: {  	_ =	swait.ge [sflag:s22], s20  }
0x9f: {  	s4 =	ssub.s32 $0x0, s20;
	[sflag:s22] =	ssyncset.done $0x0  }
0xa0: {  	[sflag:s22] =	ssyncadd.s32 s4;
	_ =	sdelay $0x1  }
0xa1: {  	s23 =	simm.s32 $0x1B8B  }
0xa2: {  	_ =	swait.ge [sflag:s23], $0x1  }
0xa3: {  	[sflag:s23] =	ssyncset.done $0x0  }
0xa4: {  	s25 =	simm.s32 $0x1B8E;
	s24 =	sld [smem:$0x3FFE];
	[sflag:s23] =	ssyncadd.s32 $0xFFFFFFFF  }
0xa5: {  	s26 =	simm.s32 $execute0_lowered;
	[smem:$0x3FD2] =	sst s25  }
0xa6: {  	s5 =	sshll.u32 s26, $0x1;
	_ =	strace $0x80000046;
	[dreg:$0x1] =	wrdreg $0xFFFFFFFF  }
0xa7: {  	s28 =	simm.s32 $_size_execute0_lowered;
	s3 =	sadd.s32 s3, s5;
	[dreg:$0x0] =	wrdreg $0x0  }
0xa8: {  	s5 =	sshll.u32 s28, $0x1;
	[dreg:$0x2] =	wrdreg s3  }
0xa9: {  	[dreg:$0x3] =	wrdreg s5  }
0xaa: {  	[dreg:$0x4] =	wrdreg $0xC0  }
0xab: {  	_ =	task [dreg:s7], $0x5FFFF  }
0xac: {  	[dreg:$0x1] =	wrdreg $0xFFFFFFFF  }
0xad: {  	[dreg:$0x0] =	wrdreg $0x60  }
0xae: {  	[dreg:$0x2] =	wrdreg s2  }
0xaf: {  	[dreg:$0x3] =	wrdreg s24  }
0xb0: {  	[dreg:$0x4] =	wrdreg $0x9  }
0xb1: {  	_ =	task.clear_ibuf [dreg:s7], $0x5FFFF;
	_ =	strace $0x90000046  }
0xb2: {  	s29 =	simm.s32 $0x9;
	_ =	strace $0x80000048  }
0xb3: {  	_ =	swait.ge [sflag:s29], $0x1  }
0xb4: {  	[sflag:s29] =	ssyncadd.s32 $0xFFFFFFFF  }
0xb5: {  	_ =	strace $0x90000048  }
0xb6: {  	_ =	sfence  }
0xb7: {  	s30 =	sld [smem:$0x0];
	_ =	sdelay $0x2  }
0xb8: {  	s31 =	sshll.u32 s1, $0xD;
	s1 =	sshrl.u32 s1, $0x2  }
0xb9: {  	s3 =	sand.u32 $0x4000, s31;
	s1 =	sadd.s32 s1, s30  }
0xba: {  	s0 =	sor.u32 s3, s0;
	s1 =	sshll.u32 s1, $0x11  }
0xbb: {  	s0 =	sor.u32 s1, s0  }
0xbc: {  	s0 =	sadd.s32 $0x8F2B, s0  }
0xbd: {  	[sflag:s0] =	ssyncadd.remote.s32 $0x1  }
0xbe: {  	_ =	sfence.sel $0xFFFF  }
0xbf: {  	[dreg:$0x0] =	wrdreg $0xFFFFFFFF;
	(pc) =	sbr.abs _section_cstart, $3  }
0xc0: {  	[dreg:$0x1] =	wrdreg $0xFFFFFFFF  }
0xc1: {  	_ =	task.clear_ibuf [dreg:s7], $0x2FFFF;
	_ =	strace $0x9FFFFFFF  }
0xc2: {  	(tm) =	ssettm $0x7FFFFFFF  }
0xc3: {  	_ =	shalt  }
tec
execute0_lowered:
.L_overlay_start_1:
0x0: {  	(tag) =	ssettag $0x1  }
0x1: {  	s1 =	srdreg.scid;
	s0 =	stileid.u32  }
0x2: {  	s17 =	sand.u32 $0x1, s1;
	s29 =	sshll.u32 s0, $0x1  }
0x3: {  	s2 =	rddreg [dreg:$0x0];
	s19 =	sor.u32 s17, s29  }
0x4: {  	s8 =	rddreg [dreg:$0x1];
	s3 =	simm.s32 $0x0;
	s4 =	smul.u32 $0x271, s19  }
0x5: {  	s5 =	simm.s32 $0x3;
	[smem:$0x7FF] =	sst s3;
	s16 =	sadd.s32 $0x1EE00, s8  }
0x6: {  	s1 =	rddreg [dreg:$0x2];
	_ =	strace $0x80000047;
	s4 =	sadd.s32 s16, s4  }
0x7: {  	[tilespmem:s3], [sflag:$0x3] =	stream.linear.gather [hbm4b:s4+s3], $0x1388, $0x38;
	[tilespmem:$0x14C08] =	vst v63  }
0x8: {  	_ =	swait.ge [sflag:s5], $0x1388  }
0x9: {  	[sflag:s5] =	ssyncset.done $0x0  }
0xa: {  	s6 =	simm.s32 $0x1388;
	s7 =	simm.s32 $0x1;
	[sflag:s5] =	ssyncadd.s32 $0xFFFFEC78  }
0xb: {  	[tilespmem:s6], [sflag:$0x1] =	stream.indirect.gather [hbm4b:s2+s6], $0x10, s3, s6, $0xb8;
	[tilespmem:$0x14C08] =	vst v63  }
0xc: {  	s9 =	smul.u32 $0x2710, s19;
	_ =	swait.ge [sflag:s7], $0x13880  }
0xd: {  	s18 =	sadd.s32 $0x37600, s8;
	s11 =	sor.u32 $0x20, s19;
	[sflag:s7] =	ssyncset.done $0x0  }
0xe: {  	s8 =	sadd.s32 s18, s9;
	s9 =	simm.s32 $0x2;
	[sflag:s7] =	ssyncadd.s32 $0xFFFEC780  }
0xf: {  	[hbm4b:s8+s3] =	stream.linear.scatter [tilespmem:s6], [sflag:$0x2], $0x13880, $0x38;
	[tilespmem:$0x14C08] =	vst v63  }
0x10: {  	s10 =	smul.u32 $0x271, s11;
	_ =	swait.ge [sflag:s9], $0x13880  }
0x11: {  	[sflag:s9] =	ssyncset.done $0x0  }
0x12: {  	s10 =	sadd.s32 s16, s10;
	[sflag:s9] =	ssyncadd.s32 $0xFFFEC780  }
0x13: {  	[tilespmem:s3], [sflag:$0x3] =	stream.linear.gather [hbm4b:s10+s3], $0x1388, $0x38;
	[tilespmem:$0x14C08] =	vst v63  }
0x14: {  	_ =	swait.ge [sflag:s5], $0x1388  }
0x15: {  	[sflag:s5] =	ssyncset.done $0x0  }
0x16: {  	[sflag:s5] =	ssyncadd.s32 $0xFFFFEC78  }
0x17: {  	[tilespmem:s6], [sflag:$0x1] =	stream.indirect.gather [hbm4b:s2+s6], $0x10, s3, s6, $0xb8;
	[tilespmem:$0x14C08] =	vst v63  }
0x18: {  	s11 =	smul.u32 $0x2710, s11;
	_ =	swait.ge [sflag:s7], $0x13880  }
0x19: {  	[sflag:s7] =	ssyncset.done $0x0  }
0x1a: {  	s13 =	sor.u32 $0x40, s19;
	s11 =	sadd.s32 s18, s11;
	[sflag:s7] =	ssyncadd.s32 $0xFFFEC780  }
0x1b: {  	[hbm4b:s11+s3] =	stream.linear.scatter [tilespmem:s6], [sflag:$0x2], $0x13880, $0x38;
	[tilespmem:$0x14C08] =	vst v63  }
0x1c: {  	s12 =	smul.u32 $0x271, s13;
	_ =	swait.ge [sflag:s9], $0x13880  }
0x1d: {  	[sflag:s9] =	ssyncset.done $0x0  }
0x1e: {  	s12 =	sadd.s32 s16, s12;
	[sflag:s9] =	ssyncadd.s32 $0xFFFEC780  }
0x1f: {  	[tilespmem:s3], [sflag:$0x3] =	stream.linear.gather [hbm4b:s12+s3], $0x1388, $0x38;
	[tilespmem:$0x14C08] =	vst v63  }
0x20: {  	_ =	swait.ge [sflag:s5], $0x1388  }
0x21: {  	[sflag:s5] =	ssyncset.done $0x0  }
0x22: {  	[sflag:s5] =	ssyncadd.s32 $0xFFFFEC78  }
0x23: {  	[tilespmem:s6], [sflag:$0x1] =	stream.indirect.gather [hbm4b:s2+s6], $0x10, s3, s6, $0xb8;
	[tilespmem:$0x14C08] =	vst v63  }
0x24: {  	s13 =	smul.u32 $0x2710, s13;
	_ =	swait.ge [sflag:s7], $0x13880  }
0x25: {  	[sflag:s7] =	ssyncset.done $0x0  }
0x26: {  	s15 =	sor.u32 $0x60, s19;
	s13 =	sadd.s32 s18, s13;
	[sflag:s7] =	ssyncadd.s32 $0xFFFEC780  }
0x27: {  	[hbm4b:s13+s3] =	stream.linear.scatter [tilespmem:s6], [sflag:$0x2], $0x13880, $0x38;
	[tilespmem:$0x14C08] =	vst v63  }
0x28: {  	s14 =	smul.u32 $0x271, s15;
	_ =	swait.ge [sflag:s9], $0x13880  }
0x29: {  	[sflag:s9] =	ssyncset.done $0x0  }
0x2a: {  	s14 =	sadd.s32 s16, s14;
	[sflag:s9] =	ssyncadd.s32 $0xFFFEC780  }
0x2b: {  	[tilespmem:s3], [sflag:$0x3] =	stream.linear.gather [hbm4b:s14+s3], $0x1388, $0x38;
	[tilespmem:$0x14C08] =	vst v63  }
0x2c: {  	_ =	swait.ge [sflag:s5], $0x1388  }
0x2d: {  	[sflag:s5] =	ssyncset.done $0x0  }
0x2e: {  	[sflag:s5] =	ssyncadd.s32 $0xFFFFEC78  }
0x2f: {  	[tilespmem:s6], [sflag:$0x1] =	stream.indirect.gather [hbm4b:s2+s6], $0x10, s3, s6, $0xb8;
	[tilespmem:$0x14C08] =	vst v63  }
0x30: {  	s15 =	smul.u32 $0x2710, s15;
	_ =	swait.ge [sflag:s7], $0x13880  }
0x31: {  	[sflag:s7] =	ssyncset.done $0x0  }
0x32: {  	s19 =	sor.u32 $0x80, s19;
	s15 =	sadd.s32 s18, s15;
	[sflag:s7] =	ssyncadd.s32 $0xFFFEC780  }
0x33: {  	[hbm4b:s15+s3] =	stream.linear.scatter [tilespmem:s6], [sflag:$0x2], $0x13880, $0x38;
	[tilespmem:$0x14C08] =	vst v63  }
0x34: {  	s20 =	smul.u32 $0x271, s19;
	_ =	swait.ge [sflag:s9], $0x13880  }
0x35: {  	[sflag:s9] =	ssyncset.done $0x0  }
0x36: {  	s17 =	ssub.s32 $0x2, s17;
	s16 =	sadd.s32 s16, s20;
	[sflag:s9] =	ssyncadd.s32 $0xFFFEC780  }
0x37: {  	[tilespmem:s3], [sflag:$0x3] =	stream.linear.gather [hbm4b:s16+s3], $0x1388, $0x38;
	[tilespmem:$0x14C08] =	vst v63  }
0x38: {  	s30 =	sshrl.u32 s17, $0x1;
	_ =	swait.ge [sflag:s5], $0x1388  }
0x39: {  	s20 =	ssub.s32 s17, s30;
	[sflag:s5] =	ssyncset.done $0x0  }
0x3a: {  	s31 =	smax.u32 s20, $0x1;
	[sflag:s5] =	ssyncadd.s32 $0xFFFFEC78  }
0x3b: {  	[tilespmem:s6], [sflag:$0x1] =	stream.indirect.gather [hbm4b:s2+s6], $0x10, s3, s6, $0xb8;
	[tilespmem:$0x14C08] =	vst v63  }
0x3c: {  	s19 =	smul.u32 $0x2710, s19;
	p0 =	sne.s32 s31, $0x1;
	_ =	swait.ge [sflag:s7], $0x13880  }
.Ltmp0:
0x3d: {  	[sflag:s7] =	ssyncset.done $0x0;
	(pc) =	sbr.rel @!p0 .LBB2_2-.Ltmp0, $4  }
0x3e: {  	s17 =	sadd.s32 s18, s19;
	[sflag:s7] =	ssyncadd.s32 $0xFFFEC780  }
0x3f: {  	[hbm4b:s17+s3] =	stream.linear.scatter [tilespmem:s6], [sflag:$0x2], $0x13880, $0x38;
	[tilespmem:$0x14C08] =	vst v63  }
0x40: {  	_ =	swait.ge [sflag:s9], $0x13880  }
0x41: {  	s18 =	sadd.s32 $0xFFFFFFFF, s31;
	[sflag:s9] =	ssyncset.done $0x0  }
.LBB2_1:
0x42: {  	p0 =	sne.s32 s18, $0x1;
	s18 =	sadd.s32 $0xFFFFFFFF, s18;
	[sflag:s9] =	ssyncadd.s32 $0xFFFEC780  }
0x43: {  	[tilespmem:s3], [sflag:$0x3] =	stream.linear.gather [hbm4b:s4+s3], $0x1388, $0x38;
	[tilespmem:$0x14C08] =	vst v63  }
0x44: {  	_ =	swait.ge [sflag:s5], $0x1388  }
0x45: {  	[sflag:s5] =	ssyncset.done $0x0  }
0x46: {  	[sflag:s5] =	ssyncadd.s32 $0xFFFFEC78  }
0x47: {  	[tilespmem:s6], [sflag:$0x1] =	stream.indirect.gather [hbm4b:s2+s6], $0x10, s3, s6, $0xb8;
	[tilespmem:$0x14C08] =	vst v63  }
0x48: {  	_ =	swait.ge [sflag:s7], $0x13880  }
0x49: {  	[sflag:s7] =	ssyncset.done $0x0  }
0x4a: {  	[sflag:s7] =	ssyncadd.s32 $0xFFFEC780  }
0x4b: {  	[hbm4b:s8+s3] =	stream.linear.scatter [tilespmem:s6], [sflag:$0x2], $0x13880, $0x38;
	[tilespmem:$0x14C08] =	vst v63  }
0x4c: {  	_ =	swait.ge [sflag:s9], $0x13880  }
0x4d: {  	[sflag:s9] =	ssyncset.done $0x0  }
0x4e: {  	[sflag:s9] =	ssyncadd.s32 $0xFFFEC780  }
0x4f: {  	[tilespmem:s3], [sflag:$0x3] =	stream.linear.gather [hbm4b:s10+s3], $0x1388, $0x38;
	[tilespmem:$0x14C08] =	vst v63  }
0x50: {  	_ =	swait.ge [sflag:s5], $0x1388  }
0x51: {  	[sflag:s5] =	ssyncset.done $0x0  }
0x52: {  	[sflag:s5] =	ssyncadd.s32 $0xFFFFEC78  }
0x53: {  	[tilespmem:s6], [sflag:$0x1] =	stream.indirect.gather [hbm4b:s2+s6], $0x10, s3, s6, $0xb8;
	[tilespmem:$0x14C08] =	vst v63  }
0x54: {  	_ =	swait.ge [sflag:s7], $0x13880  }
0x55: {  	[sflag:s7] =	ssyncset.done $0x0  }
0x56: {  	[sflag:s7] =	ssyncadd.s32 $0xFFFEC780  }
0x57: {  	[hbm4b:s11+s3] =	stream.linear.scatter [tilespmem:s6], [sflag:$0x2], $0x13880, $0x38;
	[tilespmem:$0x14C08] =	vst v63  }
0x58: {  	_ =	swait.ge [sflag:s9], $0x13880  }
0x59: {  	[sflag:s9] =	ssyncset.done $0x0  }
0x5a: {  	[sflag:s9] =	ssyncadd.s32 $0xFFFEC780  }
0x5b: {  	[tilespmem:s3], [sflag:$0x3] =	stream.linear.gather [hbm4b:s12+s3], $0x1388, $0x38;
	[tilespmem:$0x14C08] =	vst v63  }
0x5c: {  	_ =	swait.ge [sflag:s5], $0x1388  }
0x5d: {  	[sflag:s5] =	ssyncset.done $0x0  }
0x5e: {  	[sflag:s5] =	ssyncadd.s32 $0xFFFFEC78  }
0x5f: {  	[tilespmem:s6], [sflag:$0x1] =	stream.indirect.gather [hbm4b:s2+s6], $0x10, s3, s6, $0xb8;
	[tilespmem:$0x14C08] =	vst v63  }
0x60: {  	_ =	swait.ge [sflag:s7], $0x13880  }
0x61: {  	[sflag:s7] =	ssyncset.done $0x0  }
0x62: {  	[sflag:s7] =	ssyncadd.s32 $0xFFFEC780  }
0x63: {  	[hbm4b:s13+s3] =	stream.linear.scatter [tilespmem:s6], [sflag:$0x2], $0x13880, $0x38;
	[tilespmem:$0x14C08] =	vst v63  }
0x64: {  	_ =	swait.ge [sflag:s9], $0x13880  }
0x65: {  	[sflag:s9] =	ssyncset.done $0x0  }
0x66: {  	[sflag:s9] =	ssyncadd.s32 $0xFFFEC780  }
0x67: {  	[tilespmem:s3], [sflag:$0x3] =	stream.linear.gather [hbm4b:s14+s3], $0x1388, $0x38;
	[tilespmem:$0x14C08] =	vst v63  }
0x68: {  	_ =	swait.ge [sflag:s5], $0x1388  }
0x69: {  	[sflag:s5] =	ssyncset.done $0x0  }
0x6a: {  	[sflag:s5] =	ssyncadd.s32 $0xFFFFEC78  }
0x6b: {  	[tilespmem:s6], [sflag:$0x1] =	stream.indirect.gather [hbm4b:s2+s6], $0x10, s3, s6, $0xb8;
	[tilespmem:$0x14C08] =	vst v63  }
0x6c: {  	_ =	swait.ge [sflag:s7], $0x13880  }
0x6d: {  	[sflag:s7] =	ssyncset.done $0x0  }
0x6e: {  	[sflag:s7] =	ssyncadd.s32 $0xFFFEC780  }
0x6f: {  	[hbm4b:s15+s3] =	stream.linear.scatter [tilespmem:s6], [sflag:$0x2], $0x13880, $0x38;
	[tilespmem:$0x14C08] =	vst v63  }
0x70: {  	_ =	swait.ge [sflag:s9], $0x13880  }
0x71: {  	[sflag:s9] =	ssyncset.done $0x0  }
0x72: {  	[sflag:s9] =	ssyncadd.s32 $0xFFFEC780  }
0x73: {  	[tilespmem:s3], [sflag:$0x3] =	stream.linear.gather [hbm4b:s16+s3], $0x1388, $0x38;
	[tilespmem:$0x14C08] =	vst v63  }
0x74: {  	_ =	swait.ge [sflag:s5], $0x1388  }
0x75: {  	[sflag:s5] =	ssyncset.done $0x0  }
0x76: {  	[sflag:s5] =	ssyncadd.s32 $0xFFFFEC78  }
0x77: {  	[tilespmem:s6], [sflag:$0x1] =	stream.indirect.gather [hbm4b:s2+s6], $0x10, s3, s6, $0xb8;
	[tilespmem:$0x14C08] =	vst v63  }
0x78: {  	_ =	swait.ge [sflag:s7], $0x13880  }
.Ltmp1:
0x79: {  	[sflag:s7] =	ssyncset.done $0x0;
	(pc) =	sbr.rel @p0 .LBB2_1-.Ltmp1, $4  }
0x7a: {  	[sflag:s7] =	ssyncadd.s32 $0xFFFEC780  }
0x7b: {  	[hbm4b:s17+s3] =	stream.linear.scatter [tilespmem:s6], [sflag:$0x2], $0x13880, $0x38;
	[tilespmem:$0x14C08] =	vst v63  }
0x7c: {  	_ =	swait.ge [sflag:s9], $0x13880  }
0x7d: {  	[sflag:s9] =	ssyncset.done $0x0  }
.LBB2_2:
0x7e: {  	[sflag:s9] =	ssyncadd.s32 $0xFFFEC780  }
0x7f: {  	_ =	sfence.sel $0x180000  }
0x80: {  	[bflag:$0x0] =	sbarrier.arrive $0xFFFF  }
0x81: {  	p0 =	sne.s32 s0, $0x0;
	_ =	strace $0x90000047  }
0x82: {  	s0 =	sadd.s32 @!p0 $0x100000, s1;
	[bflag:$0x2] =	sbarrier.arrive $0xFFFF  }
0x83: {  	[sflag:s0] =	ssyncadd.tile.s32 @!p0 $0x1;
	_ =	shalt  }
.Lfunc_end2:
_tile_overlayer_lowered:
.L_overlay_start_2:
0x84: {  	(tag) =	ssettag $0x2  }
0x85: {  	s0 =	rddreg [dreg:$0x0];
	s2 =	stileid.u32  }
0x86: {  	s1 =	rddreg [dreg:$0x1];
	p0 =	sne.s32 s2, $0x0  }
0x87: {  	s3 =	rddreg [dreg:$0x2];
	[bflag:$0x3] =	sbarrier.arrive $0xFFFF;
	s2 =	simm.s32 @!p0 $0x1C02  }
0x88: {  	[timem:s3], [sflag:s2] =	dma.local @!p0 [hbm:s0], s1  }
0x89: {  	s0 =	simm.s32 @!p0 $0x2  }
0x8a: {  	_ =	swait.ge @!p0 [sflag:s0], s1  }
0x8b: {  	s1 =	ssub.s32 @!p0 $0x0, s1;
	[sflag:s0] =	ssyncset.done @!p0 $0x0  }
0x8c: {  	[sflag:s0] =	ssyncadd.s32 @!p0 s1  }
0x8d: {  	[bflag:$0x3] =	sbarrier.arrive $0xFFFF  }
0x8e: {  	_ =	shalt  }

// kernel: sparse-core-data-format-call.cloned.1.call-start
scs
called_computation_lowered:
.L_overlay_start_0:
0x0: {  	s1 =	sld [smem:$0x3FD9]  }
0x1: {  	s2 =	sld [smem:$0x3FFE];
	_ =	sdelay $0x1  }
0x2: {  	s3 =	srdreg.scid  }
0x3: {  	s0 =	sand.u32 $0x1, s3  }
0x4: {  	s17 =	sshll.u32 s0, $0xA;
	s1 =	sadd.s32 s2, s1  }
0x5: {  	s1 =	sadd.s32 s1, s17  }
0x6: {  	[smem:$0x3FAE] =	sst s1  }
0x7: {  	_ = 	snop  }
0x8: {  	(tm) =	ssettm $0x1  }
0x9: {  	s18 =	sld [smem:$0x3FFB];
	_ =	sdelay $0x3  }
0xa: {  	_ =	strace s18  }
0xb: {  	s1 =	sld [smem:$0x3FFC];
	_ =	sdelay $0x3  }
0xc: {  	_ =	strace s1  }
0xd: {  	s1 =	sld [smem:$0x3FFD];
	_ =	sdelay $0x3  }
0xe: {  	_ =	strace s1  }
0xf: {  	_ =	strace $0x8FFFFFFF  }
0x10: {  	s19 =	sld [smem:$0x3FDB];
	_ =	sdelay $0x1  }
0x11: {  	s20 =	simm.s32 $_scs_section_size  }
0x12: {  	s4 =	simm.s32 $_size__tile_overlayer_lowered;
	s5 =	simm.s32 $_tile_overlayer_lowered  }
0x13: {  	s23 =	simm.s32 $0x1BFF;
	s22 =	sshll.u32 s5, $0x1;
	s1 =	sadd.s32 s20, s19  }
0x14: {  	s6 =	simm.s32 $0x0;
	s21 =	sshll.u32 s4, $0x1;
	s4 =	sadd.s32 s22, s1  }
0x15: {  	[timem:s6], [sflag:s23] =	dma.local [hbm:s4], s21  }
0x16: {  	_ =	swait.ge [sflag:s23], s21  }
0x17: {  	s2 =	ssub.s32 $0x0, s21;
	[sflag:s23] =	ssyncset.done $0x0  }
0x18: {  	[sflag:s23] =	ssyncadd.s32 s2;
	_ =	sdelay $0x1  }
0x19: {  	s24 =	simm.s32 $0x1B8B  }
0x1a: {  	_ =	swait.ge [sflag:s24], $0x1  }
0x1b: {  	[sflag:s24] =	ssyncset.done $0x0  }
0x1c: {  	s26 =	simm.s32 $0x1B8E;
	s25 =	sld [smem:$0x3FFE];
	[sflag:s24] =	ssyncadd.s32 $0xFFFFFFFF  }
0x1d: {  	s27 =	simm.s32 $execute0_lowered;
	[smem:$0x3FD2] =	sst s26  }
0x1e: {  	s4 =	sshll.u32 s27, $0x1;
	_ =	strace $0x80000049;
	[dreg:$0x1] =	wrdreg $0xFFFFFFFF  }
0x1f: {  	s28 =	simm.s32 $_size_execute0_lowered;
	s1 =	sadd.s32 s1, s4;
	[dreg:$0x0] =	wrdreg $0x0  }
0x20: {  	s4 =	sshll.u32 s28, $0x1;
	[dreg:$0x2] =	wrdreg s1  }
0x21: {  	[dreg:$0x3] =	wrdreg s4  }
0x22: {  	[dreg:$0x4] =	wrdreg $0xC0  }
0x23: {  	_ =	task [dreg:s6], $0x5FFFF  }
0x24: {  	[dreg:$0x1] =	wrdreg $0xFFFFFFFF  }
0x25: {  	[dreg:$0x0] =	wrdreg $0x60  }
0x26: {  	[dreg:$0x2] =	wrdreg s25  }
0x27: {  	[dreg:$0x3] =	wrdreg $0x9  }
0x28: {  	_ =	task.clear_ibuf [dreg:s6], $0x4FFFF;
	_ =	strace $0x90000049  }
0x29: {  	s29 =	simm.s32 $0x9;
	_ =	strace $0x8000004B  }
0x2a: {  	_ =	swait.ge [sflag:s29], $0x1  }
0x2b: {  	[sflag:s29] =	ssyncadd.s32 $0xFFFFFFFF  }
0x2c: {  	_ =	strace $0x9000004B  }
0x2d: {  	_ =	sfence  }
0x2e: {  	s30 =	sld [smem:$0x0];
	_ =	sdelay $0x2  }
0x2f: {  	s31 =	sshll.u32 s3, $0xD;
	s3 =	sshrl.u32 s3, $0x2  }
0x30: {  	s2 =	sand.u32 $0x4000, s31;
	s1 =	sadd.s32 s3, s30  }
0x31: {  	s0 =	sor.u32 s2, s0;
	s1 =	sshll.u32 s1, $0x11  }
0x32: {  	s0 =	sor.u32 s1, s0  }
0x33: {  	s0 =	sadd.s32 $0x8F2B, s0  }
0x34: {  	[sflag:s0] =	ssyncadd.remote.s32 $0x1  }
0x35: {  	_ =	sfence.sel $0xFFFF  }
0x36: {  	[dreg:$0x0] =	wrdreg $0xFFFFFFFF;
	(pc) =	sbr.abs _section_cstart, $3  }
0x37: {  	[dreg:$0x1] =	wrdreg $0xFFFFFFFF  }
0x38: {  	_ =	task.clear_ibuf [dreg:s6], $0x2FFFF;
	_ =	strace $0x9FFFFFFF  }
0x39: {  	(tm) =	ssettm $0x7FFFFFFF  }
tec
execute0_lowered:
.L_overlay_start_1:
0x0: {  	(tag) =	ssettag $0x1  }
0x1: {  	s1 =	rddreg [dreg:$0x0]  }
0x2: {  	s2 =	srdreg.scid;
	s0 =	rddreg [dreg:$0x1]  }
0x3: {  	_ =	strace $0x8000004A;
	s5 =	simm.s32 $0x1;
	s7 =	simm.s32 $0x2  }
0x4: {  	s13 =	simm.s32 $0x0;
	p0 =	por $0x0, $0x0;
	s8 =	simm.s32 $0x61C00  }
.Ltmp0:
0x5: {  	s12 =	simm.s32 $0x0;
	s3 =	sshll.u32 s2, $0x7;
	(pc) =	sbr.rel .LBB1_1-.Ltmp0, $4  }
0x6: {  	s10 =	stileid.u32;
	s11 =	simm.s32 $0x0;
	s3 =	sand.u32 $0x80, s3  }
0x7: {  	s2 =	sadd.s32 $0x1BE000, s1;
	s4 =	sadd.s32 $0xDF3000, s1;
	s31 =	ssub.s32 $0xC300, s3  }
0x8: {  	[sflag:s5] =	ssyncpa.u1 $0x0;
	s1 =	stileid.u32;
	s6 =	sshrl.u32 s31, $0x8  }
0x9: {  	[sflag:s7] =	ssyncpa.u1 $0x0;
	s9 =	smov.u32 s3;
	s7 =	sadd.s32 $0x2, s6  }
.LBB1_5:
0xa: {  	s14 =	sadd.s32 $0x100, s9  }
0xb: {  	s12 =	sadd.s32 $0x10, s10;
	s16 =	smov.u32 s10;
	p2 =	sgt.s32 s14, $0xC34F  }
0xc: {  	s16 =	smov.u32 @p2 s12  }
0xd: {  	s14 =	smov.u32 @p2 s3;
	p2 =	sgt.s32 s16, $0xF  }
0xe: {  	s16 =	smov.u32 @p2 s1;
	p2 =	sne.s32 s11, s7  }
.Ltmp1:
0xf: {  	p1 =	slt.u32 s11, $0x2;
	(pc) =	sbr.rel @!p2 .LBB1_6-.Ltmp1, $4  }
0x10: {  	s15 =	simm.s32 @!p1 $0x2  }
0x11: {  	s13 =	smov.u32 s9;
	p0 =	por !p0, !p0;
	_ =	swait.ge @!p1 [sflag:s15], $0x800  }
0x12: {  	s12 =	smov.u32 s10;
	[sflag:s15] =	ssyncset.done @!p1 $0x0;
	s9 =	smov.u32 s14  }
0x13: {  	s11 =	sadd.s32 $0x1, s11;
	[sflag:s15] =	ssyncadd.s32 @!p1 $0xFFFFF800;
	s10 =	smov.u32 s16  }
.LBB1_1:
0x14: {  	p1 =	sgt.u32 s11, s6  }
0x15: {  	s16 =	smov.u32 s10;
	s18 =	smov.u32 s9;
	p2 =	sgt.s32 @!p1 s10, $0xF  }
0x16: {  	s14 =	sand.u32 @!p1 $0x1FFFFFF, s9;
	s17 =	sshra.s32 @!p1 s10, $0x1F;
	p2 =	por !p2, p1  }
0x17: {  	s19 =	sshra.s32 @!p1 s9, $0x1F;
	s16 =	simm.s32 @p2 $0xF;
	p2 =	sgt.s32 @!p1 s9, $0xC2D0  }
0x18: {  	s15 =	smulhi.u32 @!p1 $0x14F8B59, s14;
	s17 =	sand.u32 @!p1 s17, s10;
	p2 =	por !p2, p1  }
0x19: {  	s16 =	ssub.s32 @!p1 s16, s17;
	s17 =	sand.u32 @!p1 s19, s9;
	s18 =	simm.s32 @p2 $0xC2D0  }
0x1a: {  	s16 =	sadd.s32 @!p1 $0xFFFFFFF1, s16;
	s17 =	ssub.s32 @!p1 s18, s17  }
0x1b: {  	s15 =	sshrl.u32 @!p1 s15, $0x8;
	p2 =	sgt.s32 @!p1 s16, $0x0;
	s18 =	sadd.s32 @!p1 $0xFFFF3D30, s17  }
0x1c: {  	s16 =	sshll.u32 @!p1 s16, $0x4;
	s17 =	ssub.s32 @!p1 $0xC350, s17;
	p3 =	sgt.s32 @!p1 s18, $0x7F  }
0x1d: {  	s16 =	ssub.s32 @!p1 $0x10, s16;
	p2 =	por !p2, p1;
	p3 =	por !p3, p1  }
0x1e: {  	s15 =	smul.u32 @!p1 $0xC350, s15;
	s16 =	simm.s32 @!p2 $0x0;
	s17 =	simm.s32 @!p3 $0x0  }
0x1f: {  	s18 =	sxor.u32 @!p1 $0xFFFFFFFF, s11;
	s16 =	smul.u32 @!p1 s17, s16  }
0x20: {  	s14 =	ssub.s32 @!p1 s14, s15;
	s17 =	sshll.u32 @!p1 s18, $0xB;
	s18 =	smul.u32 @!p1 $0xC3500, s10  }
0x21: {  	s14 =	sshll.u32 @!p1 s14, $0x4  }
0x22: {  	s17 =	sand.u32 @!p1 $0x800, s17;
	s15 =	sand.u32 @!p1 $0x3FFFFFF0, s16;
	s16 =	sadd.s32 @!p1 s2, s18  }
0x23: {  	s18 =	simm.s32 @!p1 $0x80;
	s14 =	sadd.s32 @!p1 s14, s16;
	s16 =	simm.s32 @!p1 $0x10  }
0x24: {  	[tilespmem:s17], [sflag:$0x1] =	stream.strided.gather @!p1 [hbm4b:s14+s16], s15, s18, s16, $0x38;
	[tilespmem:$0x2020] =	vst v63  }
0x25: {  	p1 =	seq.s32 s11, $0x0  }
0x26: {  	p2 =	sge.u32 @!p1 s11, s7  }
0x27: {  	p1 =	por p1, p2  }
.Ltmp2:
0x28: {  	_ = 	snop;
	(pc) =	sbr.rel @p1 .LBB1_5-.Ltmp2, $1  }
0x29: {  	_ =	sdelay $0x3  }
0x2a: {  	p1 =	sgt.s32 s12, $0xF;
	s14 =	smov.u32 s12  }
0x2b: {  	s15 =	sshra.s32 s12, $0x1F;
	s16 =	smov.u32 s13;
	s17 =	sshra.s32 s13, $0x1F  }
0x2c: {  	s14 =	simm.s32 @!p1 $0xF;
	s15 =	sand.u32 s15, s12;
	p1 =	sgt.s32 s13, $0xC2D0  }
0x2d: {  	s27 =	sand.u32 s17, s13;
	s14 =	ssub.s32 s14, s15;
	s16 =	simm.s32 @!p1 $0xC2D0  }
0x2e: {  	s14 =	sadd.s32 $0xFFFFFFF1, s14;
	s15 =	ssub.s32 s16, s27  }
0x2f: {  	p1 =	sgt.s32 s14, $0x0;
	s16 =	sadd.s32 $0xFFFF3D30, s15;
	s14 =	sshll.u32 s14, $0x4  }
0x30: {  	s15 =	ssub.s32 $0xC350, s15;
	p2 =	sgt.s32 s16, $0x7F;
	s14 =	ssub.s32 $0x10, s14  }
0x31: {  	s15 =	simm.s32 @p2 $0x0;
	s14 =	simm.s32 @p1 $0x0  }
0x32: {  	s14 =	smul.u32 s15, s14;
	_ =	sdelay $0x1  }
0x33: {  	s15 =	simm.s32 $0x1;
	s14 =	sand.u32 $0x3FFFFFF0, s14  }
0x34: {  	s15 =	simm.s32 @!p0 $0x0;
	_ =	swait.ge [sflag:s5], s14  }
0x35: {  	s28 =	sshll.u32 s15, $0xB;
	s14 =	ssub.s32 $0x0, s14;
	[sflag:s5] =	ssyncset.done $0x0  }
0x36: {  	s29 =	sor.u32 $0x40, s28;
	[sflag:s5] =	ssyncadd.s32 s14  }
0x37: {  	v1 =	vld [tilespmem:s29+$0x30]  }
0x38: {  	s30 =	smul.u32 $0x2040, s15;
	v3 =	vld [tilespmem:s29+$0xFFFFFFD0]  }
0x39: {  	v5 =	vld [tilespmem:s29+$0xFFFFFFE0]  }
0x3a: {  	s31 =	sand.u32 $0x1, s11;
	s14 =	sshrl.u32 s30, $0x2;
	v4 =	vld [tilespmem:s29+$0xFFFFFFF0]  }
0x3b: {  	s15 =	smul.u32 $0x2040, s31;
	s14 =	sor.u32 $0x1007, s14;
	v2 =	vld [tilespmem:s29+$0x0]  }
0x3c: {  	v0 =	vld [tilespmem:s29+$0x10];
	[tilespmem:s14+$0x0 ss:$0x81] =	vst.msk $0xffff, v1  }
0x3d: {  	s15 =	sshrl.u32 s15, $0x2;
	[tilespmem:s14+$0xFFFFFFFA ss:$0x81] =	vst.msk $0xffff, v3;
	v3 =	vld [tilespmem:s29+$0x20]  }
0x3e: {  	s16 =	simm.s32 $0x0;
	s17 =	sadd.s32 $0x80, s29;
	s15 =	sor.u32 $0x1000, s15;
	v1 =	vld [tilespmem:s29+$0xFFFFFFC0];
	[tilespmem:s14+$0xFFFFFFFB ss:$0x81] =	vst.msk $0xffff, v5  }
.LBB1_3:
0x3f: {  	v5 =	vld [tilespmem:s17+$0x30];
	s16 =	sadd.s32 $0x8, s16;
	[tilespmem:s14+$0xFFFFFFFC ss:$0x81] =	vst.msk $0xffff, v4  }
0x40: {  	v6 =	vld [tilespmem:s17+$0xFFFFFFD0];
	p1 =	slt.u32 s16, $0x78;
	[tilespmem:s14+$0xFFFFFFFD ss:$0x81] =	vst.msk $0xffff, v2  }
0x41: {  	v7 =	vld [tilespmem:s17+$0xFFFFFFE0];
	[tilespmem:s14+$0xFFFFFFFE ss:$0x81] =	vst.msk $0xffff, v0  }
.Ltmp3:
0x42: {  	v4 =	vld [tilespmem:s17+$0xFFFFFFF0];
	[tilespmem:s14+$0xFFFFFFFF ss:$0x81] =	vst.msk $0xffff, v3;
	(pc) =	sbr.rel @p1 .LBB1_3-.Ltmp3, $4  }
0x43: {  	v2 =	vld [tilespmem:s17+$0x0];
	[tilespmem:s14+$0xFFFFFFF9 ss:$0x81] =	vst.msk $0xffff, v1;
	s14 =	sadd.s32 $0x8, s14  }
0x44: {  	v0 =	vld [tilespmem:s17+$0x10];
	[tilespmem:s14+$0x0 ss:$0x81] =	vst.msk $0xffff, v5  }
0x45: {  	[tilespmem:s14+$0xFFFFFFFA ss:$0x81] =	vst.msk $0xffff, v6;
	v3 =	vld [tilespmem:s17+$0x20]  }
0x46: {  	v1 =	vld [tilespmem:s17+$0xFFFFFFC0];
	[tilespmem:s14+$0xFFFFFFFB ss:$0x81] =	vst.msk $0xffff, v7;
	s17 =	sadd.s32 $0x80, s17  }
0x47: {  	s16 =	sshll.u32 s13, $0x3  }
0x48: {  	s29 =	sand.u32 $0x7F, s13;
	s16 =	sand.u32 $0xFFFFFC00, s16  }
0x49: {  	s13 =	sor.u32 s29, s16;
	s16 =	smulhi.u32 $0xA79C7B17, s16  }
0x4a: {  	s17 =	smulhi.u32 $0xA79C7B17, s13;
	_ =	sdelay $0x1  }
0x4b: {  	s12 =	smul.u32 $0x18700, s12;
	s16 =	sshrl.u32 s16, $0xF;
	s17 =	sshrl.u32 s17, $0xF  }
0x4c: {  	s16 =	sand.u32 $0xF, s16;
	s17 =	smul.u32 $0xC380, s17  }
0x4d: {  	[tilespmem:s14+$0xFFFFFFFC ss:$0x81] =	vst.msk $0xffff, v4;
	s16 =	smul.u32 $0x1870, s16  }
.Ltmp4:
0x4e: {  	[tilespmem:s14+$0xFFFFFFFD ss:$0x81] =	vst.msk $0xffff, v2;
	s13 =	ssub.s32 s13, s17;
	(pc) =	sbr.rel .LBB1_5-.Ltmp4, $4  }
0x4f: {  	[tilespmem:s14+$0xFFFFFFFE ss:$0x81] =	vst.msk $0xffff, v0;
	s12 =	sadd.s32 s4, s12;
	s17 =	sand.u32 $0x7, s13  }
0x50: {  	[tilespmem:s14+$0xFFFFFFFF ss:$0x81] =	vst.msk $0xffff, v3;
	s12 =	sadd.s32 s16, s12;
	s13 =	sshrl.u32 s13, $0x3;
	s30 =	sshll.u32 s17, $0x12  }
0x51: {  	[tilespmem:s14+$0xFFFFFFF9 ss:$0x81] =	vst.msk $0xffff, v1;
	s12 =	sadd.s32 s13, s12;
	s31 =	sor.u32 $0x400, s30  }
0x52: {  	[hbm4b:s12+s31] =	stream.strided.scatter [tilespmem:s15], [sflag:$0x2], $0x800, s8, s31, $0x20;
	[tilespmem:$0x2020] =	vst v63  }
.LBB1_6:
0x53: {  	_ =	sfence.sel $0x180000  }
0x54: {  	s2 =	simm.s32 $0x1;
	[bflag:$0x0] =	sbarrier.arrive $0xFFFF  }
0x55: {  	s31 =	simm.s32 $0x2;
	[sflag:s2] =	ssyncpa.u1 $0x1  }
0x56: {  	[sflag:s31] =	ssyncpa.u1 $0x1  }
0x57: {  	p0 =	sne.s32 s1, $0x0;
	_ =	strace $0x9000004A  }
0x58: {  	s0 =	sadd.s32 @!p0 $0x100000, s0;
	[bflag:$0x2] =	sbarrier.arrive $0xFFFF  }
0x59: {  	[sflag:s0] =	ssyncadd.tile.s32 @!p0 $0x1;
	_ =	shalt  }
.Lfunc_end1:
_tile_overlayer_lowered:
.L_overlay_start_2:
0x5a: {  	(tag) =	ssettag $0x2  }
0x5b: {  	s0 =	rddreg [dreg:$0x0];
	s2 =	stileid.u32  }
0x5c: {  	s1 =	rddreg [dreg:$0x1];
	p0 =	sne.s32 s2, $0x0  }
0x5d: {  	s3 =	rddreg [dreg:$0x2];
	[bflag:$0x3] =	sbarrier.arrive $0xFFFF;
	s2 =	simm.s32 @!p0 $0x1C01  }
0x5e: {  	[timem:s3], [sflag:s2] =	dma.local @!p0 [hbm:s0], s1  }
0x5f: {  	s0 =	simm.s32 @!p0 $0x1  }
0x60: {  	_ =	swait.ge @!p0 [sflag:s0], s1  }
0x61: {  	s1 =	ssub.s32 @!p0 $0x0, s1;
	[sflag:s0] =	ssyncset.done @!p0 $0x0  }
0x62: {  	[sflag:s0] =	ssyncadd.s32 @!p0 s1  }
0x63: {  	[bflag:$0x3] =	sbarrier.arrive $0xFFFF  }
0x64: {  	_ =	shalt  }

</sc_bundles>
